<compile_context>
chip_gen: v7x
topology: tpu7x:2x2x1
jax: 0.10.2.dev20260603
libtpu: 0.0.44.dev20260713+nightly
codegen_flags: <defaults>
</compile_context>

<pallas_src>
import functools

import jax
import jax.numpy as jnp
from jax import lax
from jax.experimental import pallas as pl
from jax.experimental.pallas import tpu as pltpu
from jax.experimental.pallas import tpu_sc as plsc

N_NODES = 10000
D_FEAT = 128
HIDDEN = 128
OUT = 64

NC = 2
NS = 16
NW = NC * NS
C = 128
ACC_ROWS = 10112
ROWS_PER_TILE = ACC_ROWS // NS
DEG_ROWS = 10240
DEG_PER_TILE = DEG_ROWS // NS
TRASH = N_NODES


def _sc_body(K, feat_hbm, pck_hbm, parts_hbm, degs_hbm,
             pck_v, src_i, dst_i, rows_v, ones_v, acc_sh, deg_sh,
             sem_g, sem_s, sem_d):
    c = lax.axis_index("c")
    s = lax.axis_index("s")
    wid = c * NS + s

    pltpu.async_copy(pck_hbm.at[pl.ds(wid * K * C, K * C)], pck_v, sem_g)

    zero16 = jnp.zeros((16,), jnp.float32)
    one16 = jnp.ones((16,), jnp.float32)
    for k in range(C // 16):
        ones_v[pl.ds(k * 16, 16)] = one16

    def _zero_row(i, carry):
        for k in range(C // 16):
            rows_v[0, i, pl.ds(k * 16, 16)] = zero16
        return carry

    lax.fori_loop(0, C, _zero_row, 0)

    zoffs = [min(o, ROWS_PER_TILE - C) for o in range(0, ROWS_PER_TILE, C)]
    for off in zoffs:
        pltpu.async_copy(rows_v.at[0],
                         acc_sh.at[pl.ds(s * ROWS_PER_TILE + off, C)], sem_s)
    for k in range(DEG_PER_TILE // C):
        pltpu.async_copy(rows_v.at[0, 0],
                         deg_sh.at[pl.ds(s * DEG_PER_TILE + k * C, C)], sem_d)
    for off in zoffs:
        pltpu.make_async_copy(
            rows_v.at[0],
            acc_sh.at[pl.ds(s * ROWS_PER_TILE + off, C)], sem_s).wait()
    for k in range(DEG_PER_TILE // C):
        pltpu.make_async_copy(
            rows_v.at[0, 0],
            deg_sh.at[pl.ds(s * DEG_PER_TILE + k * C, C)], sem_d).wait()
    pltpu.make_async_copy(pck_hbm.at[pl.ds(wid * K * C, K * C)], pck_v,
                          sem_g).wait()

    def _unpack(jj, b):
        for k in range(C // 16):
            w = pck_v[pl.ds(jj * C + k * 16, 16)]
            src_i[b, pl.ds(k * 16, 16)] = w & 0xFFFF
            dst_i[b, pl.ds(k * 16, 16)] = w >> 16

    _unpack(0, 0)
    pltpu.async_copy(feat_hbm.at[src_i.at[0]], rows_v.at[0], sem_g)
    plsc.subcore_barrier()

    def _wait_scatter(b):
        pltpu.make_async_copy(rows_v.at[b], acc_sh.at[dst_i.at[b]],
                              sem_s).wait()
        pltpu.make_async_copy(ones_v, deg_sh.at[dst_i.at[b]], sem_d).wait()

    def _chunk(j, carry):
        b = j & 1

        @pl.when(j >= 1)
        def _():
            _wait_scatter(1 - b)

        @pl.when(j + 1 < K)
        def _():
            _unpack(j + 1, 1 - b)
            pltpu.async_copy(feat_hbm.at[src_i.at[1 - b]],
                             rows_v.at[1 - b], sem_g)

        pltpu.make_async_copy(feat_hbm.at[src_i.at[b]], rows_v.at[b],
                              sem_g).wait()
        pltpu.async_copy(rows_v.at[b], acc_sh.at[dst_i.at[b]], sem_s,
                         add=True)
        pltpu.async_copy(ones_v, deg_sh.at[dst_i.at[b]], sem_d, add=True)
        return carry

    lax.fori_loop(0, K, _chunk, 0)
    _wait_scatter((K - 1) & 1)
    plsc.subcore_barrier()

    row0 = s * ROWS_PER_TILE
    pltpu.sync_copy(acc_sh.at[pl.ds(row0, ROWS_PER_TILE)],
                    parts_hbm.at[c, pl.ds(row0, ROWS_PER_TILE)])
    deg0 = s * DEG_PER_TILE
    pltpu.sync_copy(deg_sh.at[pl.ds(deg0, DEG_PER_TILE)],
                    degs_hbm.at[c, pl.ds(deg0, DEG_PER_TILE)])


def _sc_aggregate(features, pck2d, K):
    f = pl.kernel(
        functools.partial(_sc_body, K),
        out_type=[
            jax.ShapeDtypeStruct((NC, ACC_ROWS, D_FEAT), jnp.float32),
            jax.ShapeDtypeStruct((NC, DEG_ROWS), jnp.float32),
        ],
        mesh=plsc.VectorSubcoreMesh(core_axis_name="c", subcore_axis_name="s"),
        scratch_types=[
            pltpu.VMEM((K * C,), jnp.int32),
            pltpu.VMEM((2, C), jnp.int32),
            pltpu.VMEM((2, C), jnp.int32),
            pltpu.VMEM((2, C, D_FEAT), jnp.float32),
            pltpu.VMEM((C,), jnp.float32),
            pltpu.VMEM_SHARED((ACC_ROWS, D_FEAT), jnp.float32),
            pltpu.VMEM_SHARED((DEG_ROWS,), jnp.float32),
            pltpu.SemaphoreType.DMA,
            pltpu.SemaphoreType.DMA,
            pltpu.SemaphoreType.DMA,
        ],
    )
    return f(features, pck2d)


BLK = 40960


def _pack_body(e, ei_ref, o_ref):
    i = pl.program_id(0)
    real = (ei_ref[1] << 16) | ei_ref[0]

    @pl.when(i < e // BLK)
    def _():
        o_ref[...] = real

    @pl.when(i >= e // BLK)
    def _():
        gid = jax.lax.broadcasted_iota(jnp.int32, (BLK,), 0) + i * BLK
        fake = ((TRASH + (gid & 63)) << 16) | (gid & 8191)
        o_ref[...] = jnp.where(gid < e, real, fake)


def _pack(ei, e_pad):
    return pl.pallas_call(
        functools.partial(_pack_body, ei.shape[1]),
        grid=(e_pad // BLK,),
        in_specs=[pl.BlockSpec((2, BLK), lambda i: (0, i))],
        out_specs=pl.BlockSpec((BLK,), lambda i: (i,)),
        out_shape=jax.ShapeDtypeStruct((e_pad,), jnp.int32),
    )(ei)


BM = 2560


def _dense_body(f_ref, p_ref, d_ref, w1_ref, b1_ref, w2_ref, b2_ref,
                wc_ref, bc_ref, o_ref):
    agg = p_ref[0] + p_ref[1]
    deg = jnp.reshape(d_ref[0] + d_ref[1], (BM, 1))
    mean = agg / jnp.maximum(deg, 1.0)
    w1 = w1_ref[...]
    h = jnp.dot(f_ref[...], w1[:D_FEAT], preferred_element_type=jnp.float32)
    h += jnp.dot(mean, w1[D_FEAT:], preferred_element_type=jnp.float32)
    h = jnp.maximum(h + b1_ref[...], 0.0)
    h = jnp.dot(h, w2_ref[...], preferred_element_type=jnp.float32)
    h = jnp.maximum(h + b2_ref[...], 0.0)
    res = jnp.dot(h, wc_ref[...],
                  preferred_element_type=jnp.float32) + bc_ref[...]
    o_ref[...] = res.T


def _dense(features, parts, degs, W1, b1, W2, b2, Wc, bc):
    return pl.pallas_call(
        _dense_body,
        grid=(-(-N_NODES // BM),),
        in_specs=[
            pl.BlockSpec((BM, D_FEAT), lambda i: (i, 0)),
            pl.BlockSpec((NC, BM, D_FEAT), lambda i: (0, i, 0)),
            pl.BlockSpec((NC, BM), lambda i: (0, i)),
            pl.BlockSpec((2 * D_FEAT, HIDDEN), lambda i: (0, 0)),
            pl.BlockSpec((1, HIDDEN), lambda i: (0, 0)),
            pl.BlockSpec((HIDDEN, HIDDEN), lambda i: (0, 0)),
            pl.BlockSpec((1, HIDDEN), lambda i: (0, 0)),
            pl.BlockSpec((HIDDEN, OUT), lambda i: (0, 0)),
            pl.BlockSpec((1, OUT), lambda i: (0, 0)),
        ],
        out_specs=pl.BlockSpec((OUT, BM), lambda i: (0, i)),
        out_shape=jax.ShapeDtypeStruct((OUT, N_NODES), jnp.float32),
    )(features, parts, degs, W1, b1.reshape(1, HIDDEN),
      W2, b2.reshape(1, HIDDEN), Wc, bc.reshape(1, OUT)).T


def kernel(features, edge_index, W1, b1, W2, b2, Wc, bc):
    e = edge_index.shape[1]
    k_chunks = -(-e // (NW * C))
    k_chunks = -(-k_chunks // 8) * 8
    e_pad = NW * k_chunks * C
    assert e_pad % BLK == 0
    pck = _pack(edge_index.astype(jnp.int32), e_pad)
    parts, degs = _sc_aggregate(features, pck, k_chunks)
    return _dense(features, parts, degs, W1, b1, W2, b2, Wc, bc)

# --- scband reference (transcript-rebuilt; emitter-appended) ---
"""Pipeline reference for scband-graph-model-59133109732151 (READ-ONLY COPY).

The authoritative reference and input builder live on the scoring server;
editing this copy changes nothing except your own understanding.
"""

import jax, jax.numpy as jnp
import numpy as np

N_NODES = 10000
N_EDGES = 320000
D_FEAT = 128
HIDDEN = 128
OUT = 64

def setup_inputs(seed: int = 0) -> dict:
    key = jax.random.key(seed)
    ks = jax.random.split(key, 8)
    features = jax.random.normal(ks[0], (N_NODES, D_FEAT), dtype=jnp.float32)
    edge_index = jax.random.randint(ks[1], (2, N_EDGES), 0, N_NODES, dtype=jnp.int64)
    # learned params: conv1 (input_dim=2*D_FEAT -> HIDDEN), conv2 (HIDDEN -> HIDDEN), classifier (HIDDEN -> OUT)
    W1 = jax.random.normal(ks[2], (2 * D_FEAT, HIDDEN), dtype=jnp.float32) * (1.0 / np.sqrt(2 * D_FEAT))
    b1 = jnp.zeros((HIDDEN,), dtype=jnp.float32)
    W2 = jax.random.normal(ks[3], (HIDDEN, HIDDEN), dtype=jnp.float32) * (1.0 / np.sqrt(HIDDEN))
    b2 = jnp.zeros((HIDDEN,), dtype=jnp.float32)
    Wc = jax.random.normal(ks[4], (HIDDEN, OUT), dtype=jnp.float32) * (1.0 / np.sqrt(HIDDEN))
    bc = jnp.zeros((OUT,), dtype=jnp.float32)
    return {"features": features, "edge_index": edge_index,
            "W1": W1, "b1": b1, "W2": W2, "b2": b2, "Wc": Wc, "bc": bc}

def _neighbor_mean(features, edge_index):
    # mean of neighbor features per destination node (vectorized version of the
    # python loop over graph.neighbors(node) in the original module)
    src = edge_index[0]
    dst = edge_index[1]
    msgs = jnp.take(features, src, axis=0)            # gather
    agg = jax.ops.segment_sum(msgs, dst, num_segments=features.shape[0])  # scatter-add
    deg = jax.ops.segment_sum(jnp.ones((src.shape[0],), dtype=features.dtype), dst,
                              num_segments=features.shape[0])
    # nodes with no neighbors keep zeros (matches torch.zeros_like init)
    return agg / jnp.maximum(deg, 1.0)[:, None]

def reference(features, edge_index, W1, b1, W2, b2, Wc, bc):
    neighbor_features = _neighbor_mean(features, edge_index)
    combined = jnp.concatenate([features, neighbor_features], axis=1)
    x = jax.nn.relu(combined @ W1 + b1)
    # dropout is identity in eval/reference mode
    x = jax.nn.relu(x @ W2 + b2)
    return x @ Wc + bc

if __name__ == "__main__":
    import jax
    _d = setup_inputs()
    print(jax.jit(kernel)(*tuple(_d.values())))

</pallas_src>

<mosaic_0001>
#map = affine_map<(d0, d1) -> (0, 0)>
#map1 = affine_map<(d0, d1) -> (0)>
#map2 = affine_map<(d0, d1) -> (0, 0, 0)>
module attributes {stable_mosaic.version = 14 : i64} {
  func.func @_sc_body(%arg0: i32, %arg1: i32, %arg2: memref<10000x128xf32, #tpu.memory_space<hbm>>, %arg3: memref<327680xi32, #tpu.memory_space<hbm>>, %arg4: memref<2x10112x128xf32, #tpu.memory_space<hbm>>, %arg5: memref<2x10240xf32, #tpu.memory_space<hbm>>, %arg6: memref<10240xi32, #tpu.memory_space<vmem>>, %arg7: memref<2x128xi32, #tpu.memory_space<vmem>>, %arg8: memref<2x128xi32, #tpu.memory_space<vmem>>, %arg9: memref<2x128x128xf32, #tpu.memory_space<vmem>>, %arg10: memref<128xf32, #tpu.memory_space<vmem>>, %arg11: memref<10112x128xf32, #tpu.memory_space<vmem_shared>>, %arg12: memref<10240xf32, #tpu.memory_space<vmem_shared>>, %arg13: memref<!tpu.dma_semaphore, #tpu.memory_space<semaphore_mem>>, %arg14: memref<!tpu.dma_semaphore, #tpu.memory_space<semaphore_mem>>, %arg15: memref<!tpu.dma_semaphore, #tpu.memory_space<semaphore_mem>>) attributes {dimension_semantics = [#tpu.dimension_semantics<core_parallel>, #tpu.dimension_semantics<subcore_parallel>], iteration_bounds = array<i64: 2, 16>, scalar_prefetch = 0 : i64, scratch_operands = 10 : i64, tpu.core_type = #tpu.core_type<sc_vector_subcore>, window_params = [{transform_indices = #map}, {transform_indices = #map1}, {transform_indices = #map2}, {transform_indices = #map}]} {
    %mul3A = arith.constant 16 : i32
    %mul3A_0 = arith.muli %arg0, %mul3A : i32
    %add3A = arith.addi %mul3A_0, %arg1 : i32
    %mul3A_1 = arith.constant 80 : i32
    %mul3A_2 = arith.muli %add3A, %mul3A_1 : i32
    %mul3A_3 = arith.constant 128 : i32
    %mul3A_4 = arith.muli %mul3A_2, %mul3A_3 : i32
    %dma_start3A = tpu.memref_slice %arg3[%mul3A_4] : memref<327680xi32, #tpu.memory_space<hbm>> -> memref<10240xi32, #tpu.memory_space<hbm>>
    %dma_start3A_5 = tpu.memref_slice %arg3[%mul3A_4] : memref<327680xi32, #tpu.memory_space<hbm>> -> memref<10240xi32, #tpu.memory_space<hbm>>
    tpu.enqueue_dma source(%dma_start3A_5 : memref<10240xi32, #tpu.memory_space<hbm>>) target(%arg6 : memref<10240xi32, #tpu.memory_space<vmem>>) target_semaphore(%arg13 : memref<!tpu.dma_semaphore, #tpu.memory_space<semaphore_mem>>)
    %broadcast_in_dim3A = arith.constant 0.000000e+00 : f32
    %broadcast_in_dim3A_6 = vector.broadcast %broadcast_in_dim3A : f32 to vector<16xf32>
    %broadcast_in_dim3A_7 = arith.constant 1.000000e+00 : f32
    %broadcast_in_dim3A_8 = vector.broadcast %broadcast_in_dim3A_7 : f32 to vector<16xf32>
    %swap3A = arith.constant 0 : index
    %swap3A_9 = tpu.vector_load %arg10[%swap3A] {strides = array<i32>} : memref<128xf32, #tpu.memory_space<vmem>>, vector<16xf32>,
    %swap3A_10 = vector.shape_cast %swap3A_9 : vector<16xf32> to vector<16xf32>
    %swap3A_11 = vector.shape_cast %broadcast_in_dim3A_8 : vector<16xf32> to vector<16xf32>
    tpu.vector_store %arg10[%swap3A], %swap3A_11 {strides = array<i32>} : memref<128xf32, #tpu.memory_space<vmem>>, vector<16xf32>,
    %swap3A_12 = arith.constant 16 : index
    %swap3A_13 = tpu.vector_load %arg10[%swap3A_12] {strides = array<i32>} : memref<128xf32, #tpu.memory_space<vmem>>, vector<16xf32>,
    %swap3A_14 = vector.shape_cast %swap3A_13 : vector<16xf32> to vector<16xf32>
    %swap3A_15 = vector.shape_cast %broadcast_in_dim3A_8 : vector<16xf32> to vector<16xf32>
    tpu.vector_store %arg10[%swap3A_12], %swap3A_15 {strides = array<i32>} : memref<128xf32, #tpu.memory_space<vmem>>, vector<16xf32>,
    %swap3A_16 = arith.constant 32 : index
    %swap3A_17 = tpu.vector_load %arg10[%swap3A_16] {strides = array<i32>} : memref<128xf32, #tpu.memory_space<vmem>>, vector<16xf32>,
    %swap3A_18 = vector.shape_cast %swap3A_17 : vector<16xf32> to vector<16xf32>
    %swap3A_19 = vector.shape_cast %broadcast_in_dim3A_8 : vector<16xf32> to vector<16xf32>
    tpu.vector_store %arg10[%swap3A_16], %swap3A_19 {strides = array<i32>} : memref<128xf32, #tpu.memory_space<vmem>>, vector<16xf32>,
    %swap3A_20 = arith.constant 48 : index
    %swap3A_21 = tpu.vector_load %arg10[%swap3A_20] {strides = array<i32>} : memref<128xf32, #tpu.memory_space<vmem>>, vector<16xf32>,
    %swap3A_22 = vector.shape_cast %swap3A_21 : vector<16xf32> to vector<16xf32>
    %swap3A_23 = vector.shape_cast %broadcast_in_dim3A_8 : vector<16xf32> to vector<16xf32>
    tpu.vector_store %arg10[%swap3A_20], %swap3A_23 {strides = array<i32>} : memref<128xf32, #tpu.memory_space<vmem>>, vector<16xf32>,
    %swap3A_24 = arith.constant 64 : index
    %swap3A_25 = tpu.vector_load %arg10[%swap3A_24] {strides = array<i32>} : memref<128xf32, #tpu.memory_space<vmem>>, vector<16xf32>,
    %swap3A_26 = vector.shape_cast %swap3A_25 : vector<16xf32> to vector<16xf32>
    %swap3A_27 = vector.shape_cast %broadcast_in_dim3A_8 : vector<16xf32> to vector<16xf32>
    tpu.vector_store %arg10[%swap3A_24], %swap3A_27 {strides = array<i32>} : memref<128xf32, #tpu.memory_space<vmem>>, vector<16xf32>,
    %swap3A_28 = arith.constant 80 : index
    %swap3A_29 = tpu.vector_load %arg10[%swap3A_28] {strides = array<i32>} : memref<128xf32, #tpu.memory_space<vmem>>, vector<16xf32>,
    %swap3A_30 = vector.shape_cast %swap3A_29 : vector<16xf32> to vector<16xf32>
    %swap3A_31 = vector.shape_cast %broadcast_in_dim3A_8 : vector<16xf32> to vector<16xf32>
    tpu.vector_store %arg10[%swap3A_28], %swap3A_31 {strides = array<i32>} : memref<128xf32, #tpu.memory_space<vmem>>, vector<16xf32>,
    %swap3A_32 = arith.constant 96 : index
    %swap3A_33 = tpu.vector_load %arg10[%swap3A_32] {strides = array<i32>} : memref<128xf32, #tpu.memory_space<vmem>>, vector<16xf32>,
    %swap3A_34 = vector.shape_cast %swap3A_33 : vector<16xf32> to vector<16xf32>
    %swap3A_35 = vector.shape_cast %broadcast_in_dim3A_8 : vector<16xf32> to vector<16xf32>
    tpu.vector_store %arg10[%swap3A_32], %swap3A_35 {strides = array<i32>} : memref<128xf32, #tpu.memory_space<vmem>>, vector<16xf32>,
    %swap3A_36 = arith.constant 112 : index
    %swap3A_37 = tpu.vector_load %arg10[%swap3A_36] {strides = array<i32>} : memref<128xf32, #tpu.memory_space<vmem>>, vector<16xf32>,
    %swap3A_38 = vector.shape_cast %swap3A_37 : vector<16xf32> to vector<16xf32>
    %swap3A_39 = vector.shape_cast %broadcast_in_dim3A_8 : vector<16xf32> to vector<16xf32>
    tpu.vector_store %arg10[%swap3A_36], %swap3A_39 {strides = array<i32>} : memref<128xf32, #tpu.memory_space<vmem>>, vector<16xf32>,
    %scan3A = arith.constant 0 : i32
    %scan3A_40 = arith.constant 0 : i32
    %scan3A_41 = arith.constant 128 : i32
    %scan3A_42 = arith.addi %scan3A_40, %scan3A_41 : i32
    %scan3A_43 = arith.constant 1 : i32
    scf.for %scan3A_566 = %scan3A_40 to %scan3A_42 step %scan3A_43  : i32 {
      %swap3A_567 = arith.constant 0 : i32
      %swap3A_568 = arith.index_cast %swap3A_567 : i32 to index
      %swap3A_569 = arith.index_cast %scan3A_566 : i32 to index
      %swap3A_570 = arith.constant 0 : index
      %swap3A_571 = tpu.vector_load %arg9[%swap3A_568, %swap3A_569, %swap3A_570] {strides = array<i32>} : memref<2x128x128xf32, #tpu.memory_space<vmem>>, vector<1x1x16xf32>,
      %swap3A_572 = vector.shape_cast %swap3A_571 : vector<1x1x16xf32> to vector<16xf32>
      %swap3A_573 = vector.shape_cast %broadcast_in_dim3A_6 : vector<16xf32> to vector<1x1x16xf32>
      tpu.vector_store %arg9[%swap3A_568, %swap3A_569, %swap3A_570], %swap3A_573 {strides = array<i32>} : memref<2x128x128xf32, #tpu.memory_space<vmem>>, vector<1x1x16xf32>,
      %swap3A_574 = arith.constant 0 : i32
      %swap3A_575 = arith.index_cast %swap3A_574 : i32 to index
      %swap3A_576 = arith.index_cast %scan3A_566 : i32 to index
      %swap3A_577 = arith.constant 16 : index
      %swap3A_578 = tpu.vector_load %arg9[%swap3A_575, %swap3A_576, %swap3A_577] {strides = array<i32>} : memref<2x128x128xf32, #tpu.memory_space<vmem>>, vector<1x1x16xf32>,
      %swap3A_579 = vector.shape_cast %swap3A_578 : vector<1x1x16xf32> to vector<16xf32>
      %swap3A_580 = vector.shape_cast %broadcast_in_dim3A_6 : vector<16xf32> to vector<1x1x16xf32>
      tpu.vector_store %arg9[%swap3A_575, %swap3A_576, %swap3A_577], %swap3A_580 {strides = array<i32>} : memref<2x128x128xf32, #tpu.memory_space<vmem>>, vector<1x1x16xf32>,
      %swap3A_581 = arith.constant 0 : i32
      %swap3A_582 = arith.index_cast %swap3A_581 : i32 to index
      %swap3A_583 = arith.index_cast %scan3A_566 : i32 to index
      %swap3A_584 = arith.constant 32 : index
      %swap3A_585 = tpu.vector_load %arg9[%swap3A_582, %swap3A_583, %swap3A_584] {strides = array<i32>} : memref<2x128x128xf32, #tpu.memory_space<vmem>>, vector<1x1x16xf32>,
      %swap3A_586 = vector.shape_cast %swap3A_585 : vector<1x1x16xf32> to vector<16xf32>
      %swap3A_587 = vector.shape_cast %broadcast_in_dim3A_6 : vector<16xf32> to vector<1x1x16xf32>
      tpu.vector_store %arg9[%swap3A_582, %swap3A_583, %swap3A_584], %swap3A_587 {strides = array<i32>} : memref<2x128x128xf32, #tpu.memory_space<vmem>>, vector<1x1x16xf32>,
      %swap3A_588 = arith.constant 0 : i32
      %swap3A_589 = arith.index_cast %swap3A_588 : i32 to index
      %swap3A_590 = arith.index_cast %scan3A_566 : i32 to index
      %swap3A_591 = arith.constant 48 : index
      %swap3A_592 = tpu.vector_load %arg9[%swap3A_589, %swap3A_590, %swap3A_591] {strides = array<i32>} : memref<2x128x128xf32, #tpu.memory_space<vmem>>, vector<1x1x16xf32>,
      %swap3A_593 = vector.shape_cast %swap3A_592 : vector<1x1x16xf32> to vector<16xf32>
      %swap3A_594 = vector.shape_cast %broadcast_in_dim3A_6 : vector<16xf32> to vector<1x1x16xf32>
      tpu.vector_store %arg9[%swap3A_589, %swap3A_590, %swap3A_591], %swap3A_594 {strides = array<i32>} : memref<2x128x128xf32, #tpu.memory_space<vmem>>, vector<1x1x16xf32>,
      %swap3A_595 = arith.constant 0 : i32
      %swap3A_596 = arith.index_cast %swap3A_595 : i32 to index
      %swap3A_597 = arith.index_cast %scan3A_566 : i32 to index
      %swap3A_598 = arith.constant 64 : index
      %swap3A_599 = tpu.vector_load %arg9[%swap3A_596, %swap3A_597, %swap3A_598] {strides = array<i32>} : memref<2x128x128xf32, #tpu.memory_space<vmem>>, vector<1x1x16xf32>,
      %swap3A_600 = vector.shape_cast %swap3A_599 : vector<1x1x16xf32> to vector<16xf32>
      %swap3A_601 = vector.shape_cast %broadcast_in_dim3A_6 : vector<16xf32> to vector<1x1x16xf32>
      tpu.vector_store %arg9[%swap3A_596, %swap3A_597, %swap3A_598], %swap3A_601 {strides = array<i32>} : memref<2x128x128xf32, #tpu.memory_space<vmem>>, vector<1x1x16xf32>,
      %swap3A_602 = arith.constant 0 : i32
      %swap3A_603 = arith.index_cast %swap3A_602 : i32 to index
      %swap3A_604 = arith.index_cast %scan3A_566 : i32 to index
      %swap3A_605 = arith.constant 80 : index
      %swap3A_606 = tpu.vector_load %arg9[%swap3A_603, %swap3A_604, %swap3A_605] {strides = array<i32>} : memref<2x128x128xf32, #tpu.memory_space<vmem>>, vector<1x1x16xf32>,
      %swap3A_607 = vector.shape_cast %swap3A_606 : vector<1x1x16xf32> to vector<16xf32>
      %swap3A_608 = vector.shape_cast %broadcast_in_dim3A_6 : vector<16xf32> to vector<1x1x16xf32>
      tpu.vector_store %arg9[%swap3A_603, %swap3A_604, %swap3A_605], %swap3A_608 {strides = array<i32>} : memref<2x128x128xf32, #tpu.memory_space<vmem>>, vector<1x1x16xf32>,
      %swap3A_609 = arith.constant 0 : i32
      %swap3A_610 = arith.index_cast %swap3A_609 : i32 to index
      %swap3A_611 = arith.index_cast %scan3A_566 : i32 to index
      %swap3A_612 = arith.constant 96 : index
      %swap3A_613 = tpu.vector_load %arg9[%swap3A_610, %swap3A_611, %swap3A_612] {strides = array<i32>} : memref<2x128x128xf32, #tpu.memory_space<vmem>>, vector<1x1x16xf32>,
      %swap3A_614 = vector.shape_cast %swap3A_613 : vector<1x1x16xf32> to vector<16xf32>
      %swap3A_615 = vector.shape_cast %broadcast_in_dim3A_6 : vector<16xf32> to vector<1x1x16xf32>
      tpu.vector_store %arg9[%swap3A_610, %swap3A_611, %swap3A_612], %swap3A_615 {strides = array<i32>} : memref<2x128x128xf32, #tpu.memory_space<vmem>>, vector<1x1x16xf32>,
      %swap3A_616 = arith.constant 0 : i32
      %swap3A_617 = arith.index_cast %swap3A_616 : i32 to index
      %swap3A_618 = arith.index_cast %scan3A_566 : i32 to index
      %swap3A_619 = arith.constant 112 : index
      %swap3A_620 = tpu.vector_load %arg9[%swap3A_617, %swap3A_618, %swap3A_619] {strides = array<i32>} : memref<2x128x128xf32, #tpu.memory_space<vmem>>, vector<1x1x16xf32>,
      %swap3A_621 = vector.shape_cast %swap3A_620 : vector<1x1x16xf32> to vector<16xf32>
      %swap3A_622 = vector.shape_cast %broadcast_in_dim3A_6 : vector<16xf32> to vector<1x1x16xf32>
      tpu.vector_store %arg9[%swap3A_617, %swap3A_618, %swap3A_619], %swap3A_622 {strides = array<i32>} : memref<2x128x128xf32, #tpu.memory_space<vmem>>, vector<1x1x16xf32>,
    }
    %scan3A_44 = arith.constant 128 : i32
    %mul3A_45 = arith.constant 632 : i32
    %mul3A_46 = arith.muli %arg1, %mul3A_45 : i32
    %add3A_47 = arith.constant 0 : i32
    %add3A_48 = arith.addi %mul3A_46, %add3A_47 : i32
    %dma_start3A_49 = arith.constant 0 : i32
    %dma_start3A_50 = arith.constant 0 : i32
    %dma_start3A_51 = arith.constant 0 : i32
    %dma_start3A_52 = tpu.memref_slice %arg9[%dma_start3A_49, %dma_start3A_50, %dma_start3A_51] : memref<2x128x128xf32, #tpu.memory_space<vmem>> -> memref<1x128x128xf32, #tpu.memory_space<vmem>>
    %dma_start3A_53 = tpu.memref_squeeze %dma_start3A_52 : memref<1x128x128xf32, #tpu.memory_space<vmem>> -> memref<128x128xf32, #tpu.memory_space<vmem>>
    %dma_start3A_54 = arith.constant 0 : i32
    %dma_start3A_55 = tpu.memref_slice %arg11[%add3A_48, %dma_start3A_54] : memref<10112x128xf32, #tpu.memory_space<vmem_shared>> -> memref<128x128xf32, #tpu.memory_space<vmem_shared>>
    %dma_start3A_56 = arith.constant 0 : i32
    %dma_start3A_57 = tpu.memref_slice %arg11[%add3A_48, %dma_start3A_56] : memref<10112x128xf32, #tpu.memory_space<vmem_shared>> -> memref<128x128xf32, #tpu.memory_space<vmem_shared>>
    %dma_start3A_58 = arith.constant 0 : i32
    %dma_start3A_59 = arith.constant 0 : i32
    %dma_start3A_60 = tpu.memref_slice %arg9[%dma_start3A_49, %dma_start3A_58, %dma_start3A_59] : memref<2x128x128xf32, #tpu.memory_space<vmem>> -> memref<1x128x128xf32, #tpu.memory_space<vmem>>
    %dma_start3A_61 = tpu.memref_squeeze %dma_start3A_60 : memref<1x128x128xf32, #tpu.memory_space<vmem>> -> memref<128x128xf32, #tpu.memory_space<vmem>>
    tpu.enqueue_dma source(%dma_start3A_61 : memref<128x128xf32, #tpu.memory_space<vmem>>) target(%dma_start3A_57 : memref<128x128xf32, #tpu.memory_space<vmem_shared>>) target_semaphore(%arg14 : memref<!tpu.dma_semaphore, #tpu.memory_space<semaphore_mem>>)
    %mul3A_62 = arith.constant 632 : i32
    %mul3A_63 = arith.muli %arg1, %mul3A_62 : i32
    %add3A_64 = arith.constant 128 : i32
    %add3A_65 = arith.addi %mul3A_63, %add3A_64 : i32
    %dma_start3A_66 = arith.constant 0 : i32
    %dma_start3A_67 = arith.constant 0 : i32
    %dma_start3A_68 = arith.constant 0 : i32
    %dma_start3A_69 = tpu.memref_slice %arg9[%dma_start3A_66, %dma_start3A_67, %dma_start3A_68] : memref<2x128x128xf32, #tpu.memory_space<vmem>> -> memref<1x128x128xf32, #tpu.memory_space<vmem>>
    %dma_start3A_70 = tpu.memref_squeeze %dma_start3A_69 : memref<1x128x128xf32, #tpu.memory_space<vmem>> -> memref<128x128xf32, #tpu.memory_space<vmem>>
    %dma_start3A_71 = arith.constant 0 : i32
    %dma_start3A_72 = tpu.memref_slice %arg11[%add3A_65, %dma_start3A_71] : memref<10112x128xf32, #tpu.memory_space<vmem_shared>> -> memref<128x128xf32, #tpu.memory_space<vmem_shared>>
    %dma_start3A_73 = arith.constant 0 : i32
    %dma_start3A_74 = tpu.memref_slice %arg11[%add3A_65, %dma_start3A_73] : memref<10112x128xf32, #tpu.memory_space<vmem_shared>> -> memref<128x128xf32, #tpu.memory_space<vmem_shared>>
    %dma_start3A_75 = arith.constant 0 : i32
    %dma_start3A_76 = arith.constant 0 : i32
    %dma_start3A_77 = tpu.memref_slice %arg9[%dma_start3A_66, %dma_start3A_75, %dma_start3A_76] : memref<2x128x128xf32, #tpu.memory_space<vmem>> -> memref<1x128x128xf32, #tpu.memory_space<vmem>>
    %dma_start3A_78 = tpu.memref_squeeze %dma_start3A_77 : memref<1x128x128xf32, #tpu.memory_space<vmem>> -> memref<128x128xf32, #tpu.memory_space<vmem>>
    tpu.enqueue_dma source(%dma_start3A_78 : memref<128x128xf32, #tpu.memory_space<vmem>>) target(%dma_start3A_74 : memref<128x128xf32, #tpu.memory_space<vmem_shared>>) target_semaphore(%arg14 : memref<!tpu.dma_semaphore, #tpu.memory_space<semaphore_mem>>)
    %mul3A_79 = arith.constant 632 : i32
    %mul3A_80 = arith.muli %arg1, %mul3A_79 : i32
    %add3A_81 = arith.constant 256 : i32
    %add3A_82 = arith.addi %mul3A_80, %add3A_81 : i32
    %dma_start3A_83 = arith.constant 0 : i32
    %dma_start3A_84 = arith.constant 0 : i32
    %dma_start3A_85 = arith.constant 0 : i32
    %dma_start3A_86 = tpu.memref_slice %arg9[%dma_start3A_83, %dma_start3A_84, %dma_start3A_85] : memref<2x128x128xf32, #tpu.memory_space<vmem>> -> memref<1x128x128xf32, #tpu.memory_space<vmem>>
    %dma_start3A_87 = tpu.memref_squeeze %dma_start3A_86 : memref<1x128x128xf32, #tpu.memory_space<vmem>> -> memref<128x128xf32, #tpu.memory_space<vmem>>
    %dma_start3A_88 = arith.constant 0 : i32
    %dma_start3A_89 = tpu.memref_slice %arg11[%add3A_82, %dma_start3A_88] : memref<10112x128xf32, #tpu.memory_space<vmem_shared>> -> memref<128x128xf32, #tpu.memory_space<vmem_shared>>
    %dma_start3A_90 = arith.constant 0 : i32
    %dma_start3A_91 = tpu.memref_slice %arg11[%add3A_82, %dma_start3A_90] : memref<10112x128xf32, #tpu.memory_space<vmem_shared>> -> memref<128x128xf32, #tpu.memory_space<vmem_shared>>
    %dma_start3A_92 = arith.constant 0 : i32
    %dma_start3A_93 = arith.constant 0 : i32
    %dma_start3A_94 = tpu.memref_slice %arg9[%dma_start3A_83, %dma_start3A_92, %dma_start3A_93] : memref<2x128x128xf32, #tpu.memory_space<vmem>> -> memref<1x128x128xf32, #tpu.memory_space<vmem>>
    %dma_start3A_95 = tpu.memref_squeeze %dma_start3A_94 : memref<1x128x128xf32, #tpu.memory_space<vmem>> -> memref<128x128xf32, #tpu.memory_space<vmem>>
    tpu.enqueue_dma source(%dma_start3A_95 : memref<128x128xf32, #tpu.memory_space<vmem>>) target(%dma_start3A_91 : memref<128x128xf32, #tpu.memory_space<vmem_shared>>) target_semaphore(%arg14 : memref<!tpu.dma_semaphore, #tpu.memory_space<semaphore_mem>>)
    %mul3A_96 = arith.constant 632 : i32
    %mul3A_97 = arith.muli %arg1, %mul3A_96 : i32
    %add3A_98 = arith.constant 384 : i32
    %add3A_99 = arith.addi %mul3A_97, %add3A_98 : i32
    %dma_start3A_100 = arith.constant 0 : i32
    %dma_start3A_101 = arith.constant 0 : i32
    %dma_start3A_102 = arith.constant 0 : i32
    %dma_start3A_103 = tpu.memref_slice %arg9[%dma_start3A_100, %dma_start3A_101, %dma_start3A_102] : memref<2x128x128xf32, #tpu.memory_space<vmem>> -> memref<1x128x128xf32, #tpu.memory_space<vmem>>
    %dma_start3A_104 = tpu.memref_squeeze %dma_start3A_103 : memref<1x128x128xf32, #tpu.memory_space<vmem>> -> memref<128x128xf32, #tpu.memory_space<vmem>>
    %dma_start3A_105 = arith.constant 0 : i32
    %dma_start3A_106 = tpu.memref_slice %arg11[%add3A_99, %dma_start3A_105] : memref<10112x128xf32, #tpu.memory_space<vmem_shared>> -> memref<128x128xf32, #tpu.memory_space<vmem_shared>>
    %dma_start3A_107 = arith.constant 0 : i32
    %dma_start3A_108 = tpu.memref_slice %arg11[%add3A_99, %dma_start3A_107] : memref<10112x128xf32, #tpu.memory_space<vmem_shared>> -> memref<128x128xf32, #tpu.memory_space<vmem_shared>>
    %dma_start3A_109 = arith.constant 0 : i32
    %dma_start3A_110 = arith.constant 0 : i32
    %dma_start3A_111 = tpu.memref_slice %arg9[%dma_start3A_100, %dma_start3A_109, %dma_start3A_110] : memref<2x128x128xf32, #tpu.memory_space<vmem>> -> memref<1x128x128xf32, #tpu.memory_space<vmem>>
    %dma_start3A_112 = tpu.memref_squeeze %dma_start3A_111 : memref<1x128x128xf32, #tpu.memory_space<vmem>> -> memref<128x128xf32, #tpu.memory_space<vmem>>
    tpu.enqueue_dma source(%dma_start3A_112 : memref<128x128xf32, #tpu.memory_space<vmem>>) target(%dma_start3A_108 : memref<128x128xf32, #tpu.memory_space<vmem_shared>>) target_semaphore(%arg14 : memref<!tpu.dma_semaphore, #tpu.memory_space<semaphore_mem>>)
    %mul3A_113 = arith.constant 632 : i32
    %mul3A_114 = arith.muli %arg1, %mul3A_113 : i32
    %add3A_115 = arith.constant 504 : i32
    %add3A_116 = arith.addi %mul3A_114, %add3A_115 : i32
    %dma_start3A_117 = arith.constant 0 : i32
    %dma_start3A_118 = arith.constant 0 : i32
    %dma_start3A_119 = arith.constant 0 : i32
    %dma_start3A_120 = tpu.memref_slice %arg9[%dma_start3A_117, %dma_start3A_118, %dma_start3A_119] : memref<2x128x128xf32, #tpu.memory_space<vmem>> -> memref<1x128x128xf32, #tpu.memory_space<vmem>>
    %dma_start3A_121 = tpu.memref_squeeze %dma_start3A_120 : memref<1x128x128xf32, #tpu.memory_space<vmem>> -> memref<128x128xf32, #tpu.memory_space<vmem>>
    %dma_start3A_122 = arith.constant 0 : i32
    %dma_start3A_123 = tpu.memref_slice %arg11[%add3A_116, %dma_start3A_122] : memref<10112x128xf32, #tpu.memory_space<vmem_shared>> -> memref<128x128xf32, #tpu.memory_space<vmem_shared>>
    %dma_start3A_124 = arith.constant 0 : i32
    %dma_start3A_125 = tpu.memref_slice %arg11[%add3A_116, %dma_start3A_124] : memref<10112x128xf32, #tpu.memory_space<vmem_shared>> -> memref<128x128xf32, #tpu.memory_space<vmem_shared>>
    %dma_start3A_126 = arith.constant 0 : i32
    %dma_start3A_127 = arith.constant 0 : i32
    %dma_start3A_128 = tpu.memref_slice %arg9[%dma_start3A_117, %dma_start3A_126, %dma_start3A_127] : memref<2x128x128xf32, #tpu.memory_space<vmem>> -> memref<1x128x128xf32, #tpu.memory_space<vmem>>
    %dma_start3A_129 = tpu.memref_squeeze %dma_start3A_128 : memref<1x128x128xf32, #tpu.memory_space<vmem>> -> memref<128x128xf32, #tpu.memory_space<vmem>>
    tpu.enqueue_dma source(%dma_start3A_129 : memref<128x128xf32, #tpu.memory_space<vmem>>) target(%dma_start3A_125 : memref<128x128xf32, #tpu.memory_space<vmem_shared>>) target_semaphore(%arg14 : memref<!tpu.dma_semaphore, #tpu.memory_space<semaphore_mem>>)
    %mul3A_130 = arith.constant 640 : i32
    %mul3A_131 = arith.muli %arg1, %mul3A_130 : i32
    %add3A_132 = arith.constant 0 : i32
    %add3A_133 = arith.addi %mul3A_131, %add3A_132 : i32
    %dma_start3A_134 = arith.constant 0 : i32
    %dma_start3A_135 = arith.constant 0 : i32
    %dma_start3A_136 = arith.constant 0 : i32
    %dma_start3A_137 = tpu.memref_slice %arg9[%dma_start3A_134, %dma_start3A_135, %dma_start3A_136] : memref<2x128x128xf32, #tpu.memory_space<vmem>> -> memref<1x1x128xf32, #tpu.memory_space<vmem>>
    %dma_start3A_138 = tpu.memref_squeeze %dma_start3A_137 : memref<1x1x128xf32, #tpu.memory_space<vmem>> -> memref<128xf32, #tpu.memory_space<vmem>>
    %dma_start3A_139 = tpu.memref_slice %arg12[%add3A_133] : memref<10240xf32, #tpu.memory_space<vmem_shared>> -> memref<128xf32, #tpu.memory_space<vmem_shared>>
    %dma_start3A_140 = tpu.memref_slice %arg12[%add3A_133] : memref<10240xf32, #tpu.memory_space<vmem_shared>> -> memref<128xf32, #tpu.memory_space<vmem_shared>>
    %dma_start3A_141 = arith.constant 0 : i32
    %dma_start3A_142 = tpu.memref_slice %arg9[%dma_start3A_134, %dma_start3A_135, %dma_start3A_141] : memref<2x128x128xf32, #tpu.memory_space<vmem>> -> memref<1x1x128xf32, #tpu.memory_space<vmem>>
    %dma_start3A_143 = tpu.memref_squeeze %dma_start3A_142 : memref<1x1x128xf32, #tpu.memory_space<vmem>> -> memref<128xf32, #tpu.memory_space<vmem>>
    tpu.enqueue_dma source(%dma_start3A_143 : memref<128xf32, #tpu.memory_space<vmem>>) target(%dma_start3A_140 : memref<128xf32, #tpu.memory_space<vmem_shared>>) target_semaphore(%arg15 : memref<!tpu.dma_semaphore, #tpu.memory_space<semaphore_mem>>)
    %mul3A_144 = arith.constant 640 : i32
    %mul3A_145 = arith.muli %arg1, %mul3A_144 : i32
    %add3A_146 = arith.constant 128 : i32
    %add3A_147 = arith.addi %mul3A_145, %add3A_146 : i32
    %dma_start3A_148 = arith.constant 0 : i32
    %dma_start3A_149 = arith.constant 0 : i32
    %dma_start3A_150 = arith.constant 0 : i32
    %dma_start3A_151 = tpu.memref_slice %arg9[%dma_start3A_148, %dma_start3A_149, %dma_start3A_150] : memref<2x128x128xf32, #tpu.memory_space<vmem>> -> memref<1x1x128xf32, #tpu.memory_space<vmem>>
    %dma_start3A_152 = tpu.memref_squeeze %dma_start3A_151 : memref<1x1x128xf32, #tpu.memory_space<vmem>> -> memref<128xf32, #tpu.memory_space<vmem>>
    %dma_start3A_153 = tpu.memref_slice %arg12[%add3A_147] : memref<10240xf32, #tpu.memory_space<vmem_shared>> -> memref<128xf32, #tpu.memory_space<vmem_shared>>
    %dma_start3A_154 = tpu.memref_slice %arg12[%add3A_147] : memref<10240xf32, #tpu.memory_space<vmem_shared>> -> memref<128xf32, #tpu.memory_space<vmem_shared>>
    %dma_start3A_155 = arith.constant 0 : i32
    %dma_start3A_156 = tpu.memref_slice %arg9[%dma_start3A_148, %dma_start3A_149, %dma_start3A_155] : memref<2x128x128xf32, #tpu.memory_space<vmem>> -> memref<1x1x128xf32, #tpu.memory_space<vmem>>
    %dma_start3A_157 = tpu.memref_squeeze %dma_start3A_156 : memref<1x1x128xf32, #tpu.memory_space<vmem>> -> memref<128xf32, #tpu.memory_space<vmem>>
    tpu.enqueue_dma source(%dma_start3A_157 : memref<128xf32, #tpu.memory_space<vmem>>) target(%dma_start3A_154 : memref<128xf32, #tpu.memory_space<vmem_shared>>) target_semaphore(%arg15 : memref<!tpu.dma_semaphore, #tpu.memory_space<semaphore_mem>>)
    %mul3A_158 = arith.constant 640 : i32
    %mul3A_159 = arith.muli %arg1, %mul3A_158 : i32
    %add3A_160 = arith.constant 256 : i32
    %add3A_161 = arith.addi %mul3A_159, %add3A_160 : i32
    %dma_start3A_162 = arith.constant 0 : i32
    %dma_start3A_163 = arith.constant 0 : i32
    %dma_start3A_164 = arith.constant 0 : i32
    %dma_start3A_165 = tpu.memref_slice %arg9[%dma_start3A_162, %dma_start3A_163, %dma_start3A_164] : memref<2x128x128xf32, #tpu.memory_space<vmem>> -> memref<1x1x128xf32, #tpu.memory_space<vmem>>
    %dma_start3A_166 = tpu.memref_squeeze %dma_start3A_165 : memref<1x1x128xf32, #tpu.memory_space<vmem>> -> memref<128xf32, #tpu.memory_space<vmem>>
    %dma_start3A_167 = tpu.memref_slice %arg12[%add3A_161] : memref<10240xf32, #tpu.memory_space<vmem_shared>> -> memref<128xf32, #tpu.memory_space<vmem_shared>>
    %dma_start3A_168 = tpu.memref_slice %arg12[%add3A_161] : memref<10240xf32, #tpu.memory_space<vmem_shared>> -> memref<128xf32, #tpu.memory_space<vmem_shared>>
    %dma_start3A_169 = arith.constant 0 : i32
    %dma_start3A_170 = tpu.memref_slice %arg9[%dma_start3A_162, %dma_start3A_163, %dma_start3A_169] : memref<2x128x128xf32, #tpu.memory_space<vmem>> -> memref<1x1x128xf32, #tpu.memory_space<vmem>>
    %dma_start3A_171 = tpu.memref_squeeze %dma_start3A_170 : memref<1x1x128xf32, #tpu.memory_space<vmem>> -> memref<128xf32, #tpu.memory_space<vmem>>
    tpu.enqueue_dma source(%dma_start3A_171 : memref<128xf32, #tpu.memory_space<vmem>>) target(%dma_start3A_168 : memref<128xf32, #tpu.memory_space<vmem_shared>>) target_semaphore(%arg15 : memref<!tpu.dma_semaphore, #tpu.memory_space<semaphore_mem>>)
    %mul3A_172 = arith.constant 640 : i32
    %mul3A_173 = arith.muli %arg1, %mul3A_172 : i32
    %add3A_174 = arith.constant 384 : i32
    %add3A_175 = arith.addi %mul3A_173, %add3A_174 : i32
    %dma_start3A_176 = arith.constant 0 : i32
    %dma_start3A_177 = arith.constant 0 : i32
    %dma_start3A_178 = arith.constant 0 : i32
    %dma_start3A_179 = tpu.memref_slice %arg9[%dma_start3A_176, %dma_start3A_177, %dma_start3A_178] : memref<2x128x128xf32, #tpu.memory_space<vmem>> -> memref<1x1x128xf32, #tpu.memory_space<vmem>>
    %dma_start3A_180 = tpu.memref_squeeze %dma_start3A_179 : memref<1x1x128xf32, #tpu.memory_space<vmem>> -> memref<128xf32, #tpu.memory_space<vmem>>
    %dma_start3A_181 = tpu.memref_slice %arg12[%add3A_175] : memref<10240xf32, #tpu.memory_space<vmem_shared>> -> memref<128xf32, #tpu.memory_space<vmem_shared>>
    %dma_start3A_182 = tpu.memref_slice %arg12[%add3A_175] : memref<10240xf32, #tpu.memory_space<vmem_shared>> -> memref<128xf32, #tpu.memory_space<vmem_shared>>
    %dma_start3A_183 = arith.constant 0 : i32
    %dma_start3A_184 = tpu.memref_slice %arg9[%dma_start3A_176, %dma_start3A_177, %dma_start3A_183] : memref<2x128x128xf32, #tpu.memory_space<vmem>> -> memref<1x1x128xf32, #tpu.memory_space<vmem>>
    %dma_start3A_185 = tpu.memref_squeeze %dma_start3A_184 : memref<1x1x128xf32, #tpu.memory_space<vmem>> -> memref<128xf32, #tpu.memory_space<vmem>>
    tpu.enqueue_dma source(%dma_start3A_185 : memref<128xf32, #tpu.memory_space<vmem>>) target(%dma_start3A_182 : memref<128xf32, #tpu.memory_space<vmem_shared>>) target_semaphore(%arg15 : memref<!tpu.dma_semaphore, #tpu.memory_space<semaphore_mem>>)
    %mul3A_186 = arith.constant 640 : i32
    %mul3A_187 = arith.muli %arg1, %mul3A_186 : i32
    %add3A_188 = arith.constant 512 : i32
    %add3A_189 = arith.addi %mul3A_187, %add3A_188 : i32
    %dma_start3A_190 = arith.constant 0 : i32
    %dma_start3A_191 = arith.constant 0 : i32
    %dma_start3A_192 = arith.constant 0 : i32
    %dma_start3A_193 = tpu.memref_slice %arg9[%dma_start3A_190, %dma_start3A_191, %dma_start3A_192] : memref<2x128x128xf32, #tpu.memory_space<vmem>> -> memref<1x1x128xf32, #tpu.memory_space<vmem>>
    %dma_start3A_194 = tpu.memref_squeeze %dma_start3A_193 : memref<1x1x128xf32, #tpu.memory_space<vmem>> -> memref<128xf32, #tpu.memory_space<vmem>>
    %dma_start3A_195 = tpu.memref_slice %arg12[%add3A_189] : memref<10240xf32, #tpu.memory_space<vmem_shared>> -> memref<128xf32, #tpu.memory_space<vmem_shared>>
    %dma_start3A_196 = tpu.memref_slice %arg12[%add3A_189] : memref<10240xf32, #tpu.memory_space<vmem_shared>> -> memref<128xf32, #tpu.memory_space<vmem_shared>>
    %dma_start3A_197 = arith.constant 0 : i32
    %dma_start3A_198 = tpu.memref_slice %arg9[%dma_start3A_190, %dma_start3A_191, %dma_start3A_197] : memref<2x128x128xf32, #tpu.memory_space<vmem>> -> memref<1x1x128xf32, #tpu.memory_space<vmem>>
    %dma_start3A_199 = tpu.memref_squeeze %dma_start3A_198 : memref<1x1x128xf32, #tpu.memory_space<vmem>> -> memref<128xf32, #tpu.memory_space<vmem>>
    tpu.enqueue_dma source(%dma_start3A_199 : memref<128xf32, #tpu.memory_space<vmem>>) target(%dma_start3A_196 : memref<128xf32, #tpu.memory_space<vmem_shared>>) target_semaphore(%arg15 : memref<!tpu.dma_semaphore, #tpu.memory_space<semaphore_mem>>)
    %mul3A_200 = arith.constant 632 : i32
    %mul3A_201 = arith.muli %arg1, %mul3A_200 : i32
    %add3A_202 = arith.constant 0 : i32
    %add3A_203 = arith.addi %mul3A_201, %add3A_202 : i32
    %dma_wait3A = arith.constant 0 : i32
    %dma_wait3A_204 = arith.constant 0 : i32
    %dma_wait3A_205 = arith.constant 0 : i32
    %dma_wait3A_206 = tpu.memref_slice %arg9[%dma_wait3A, %dma_wait3A_204, %dma_wait3A_205] : memref<2x128x128xf32, #tpu.memory_space<vmem>> -> memref<1x128x128xf32, #tpu.memory_space<vmem>>
    %dma_wait3A_207 = tpu.memref_squeeze %dma_wait3A_206 : memref<1x128x128xf32, #tpu.memory_space<vmem>> -> memref<128x128xf32, #tpu.memory_space<vmem>>
    %dma_wait3A_208 = arith.constant 0 : i32
    %dma_wait3A_209 = tpu.memref_slice %arg11[%add3A_203, %dma_wait3A_208] : memref<10112x128xf32, #tpu.memory_space<vmem_shared>> -> memref<128x128xf32, #tpu.memory_space<vmem_shared>>
    %dma_wait3A_210 = arith.constant 0 : i32
    %dma_wait3A_211 = tpu.memref_slice %arg11[%add3A_203, %dma_wait3A_210] : memref<10112x128xf32, #tpu.memory_space<vmem_shared>> -> memref<128x128xf32, #tpu.memory_space<vmem_shared>>
    %dma_wait3A_212 = arith.constant 0 : i32
    %dma_wait3A_213 = arith.constant 0 : i32
    %dma_wait3A_214 = tpu.memref_slice %arg9[%dma_wait3A, %dma_wait3A_212, %dma_wait3A_213] : memref<2x128x128xf32, #tpu.memory_space<vmem>> -> memref<1x128x128xf32, #tpu.memory_space<vmem>>
    %dma_wait3A_215 = tpu.memref_squeeze %dma_wait3A_214 : memref<1x128x128xf32, #tpu.memory_space<vmem>> -> memref<128x128xf32, #tpu.memory_space<vmem>>
    tpu.wait_dma2 semaphore(%arg14 : memref<!tpu.dma_semaphore, #tpu.memory_space<semaphore_mem>>) src(%dma_wait3A_215 : memref<128x128xf32, #tpu.memory_space<vmem>>) dst(%dma_wait3A_211 : memref<128x128xf32, #tpu.memory_space<vmem_shared>>)
    %mul3A_216 = arith.constant 632 : i32
    %mul3A_217 = arith.muli %arg1, %mul3A_216 : i32
    %add3A_218 = arith.constant 128 : i32
    %add3A_219 = arith.addi %mul3A_217, %add3A_218 : i32
    %dma_wait3A_220 = arith.constant 0 : i32
    %dma_wait3A_221 = arith.constant 0 : i32
    %dma_wait3A_222 = arith.constant 0 : i32
    %dma_wait3A_223 = tpu.memref_slice %arg9[%dma_wait3A_220, %dma_wait3A_221, %dma_wait3A_222] : memref<2x128x128xf32, #tpu.memory_space<vmem>> -> memref<1x128x128xf32, #tpu.memory_space<vmem>>
    %dma_wait3A_224 = tpu.memref_squeeze %dma_wait3A_223 : memref<1x128x128xf32, #tpu.memory_space<vmem>> -> memref<128x128xf32, #tpu.memory_space<vmem>>
    %dma_wait3A_225 = arith.constant 0 : i32
    %dma_wait3A_226 = tpu.memref_slice %arg11[%add3A_219, %dma_wait3A_225] : memref<10112x128xf32, #tpu.memory_space<vmem_shared>> -> memref<128x128xf32, #tpu.memory_space<vmem_shared>>
    %dma_wait3A_227 = arith.constant 0 : i32
    %dma_wait3A_228 = tpu.memref_slice %arg11[%add3A_219, %dma_wait3A_227] : memref<10112x128xf32, #tpu.memory_space<vmem_shared>> -> memref<128x128xf32, #tpu.memory_space<vmem_shared>>
    %dma_wait3A_229 = arith.constant 0 : i32
    %dma_wait3A_230 = arith.constant 0 : i32
    %dma_wait3A_231 = tpu.memref_slice %arg9[%dma_wait3A_220, %dma_wait3A_229, %dma_wait3A_230] : memref<2x128x128xf32, #tpu.memory_space<vmem>> -> memref<1x128x128xf32, #tpu.memory_space<vmem>>
    %dma_wait3A_232 = tpu.memref_squeeze %dma_wait3A_231 : memref<1x128x128xf32, #tpu.memory_space<vmem>> -> memref<128x128xf32, #tpu.memory_space<vmem>>
    tpu.wait_dma2 semaphore(%arg14 : memref<!tpu.dma_semaphore, #tpu.memory_space<semaphore_mem>>) src(%dma_wait3A_232 : memref<128x128xf32, #tpu.memory_space<vmem>>) dst(%dma_wait3A_228 : memref<128x128xf32, #tpu.memory_space<vmem_shared>>)
    %mul3A_233 = arith.constant 632 : i32
    %mul3A_234 = arith.muli %arg1, %mul3A_233 : i32
    %add3A_235 = arith.constant 256 : i32
    %add3A_236 = arith.addi %mul3A_234, %add3A_235 : i32
    %dma_wait3A_237 = arith.constant 0 : i32
    %dma_wait3A_238 = arith.constant 0 : i32
    %dma_wait3A_239 = arith.constant 0 : i32
    %dma_wait3A_240 = tpu.memref_slice %arg9[%dma_wait3A_237, %dma_wait3A_238, %dma_wait3A_239] : memref<2x128x128xf32, #tpu.memory_space<vmem>> -> memref<1x128x128xf32, #tpu.memory_space<vmem>>
    %dma_wait3A_241 = tpu.memref_squeeze %dma_wait3A_240 : memref<1x128x128xf32, #tpu.memory_space<vmem>> -> memref<128x128xf32, #tpu.memory_space<vmem>>
    %dma_wait3A_242 = arith.constant 0 : i32
    %dma_wait3A_243 = tpu.memref_slice %arg11[%add3A_236, %dma_wait3A_242] : memref<10112x128xf32, #tpu.memory_space<vmem_shared>> -> memref<128x128xf32, #tpu.memory_space<vmem_shared>>
    %dma_wait3A_244 = arith.constant 0 : i32
    %dma_wait3A_245 = tpu.memref_slice %arg11[%add3A_236, %dma_wait3A_244] : memref<10112x128xf32, #tpu.memory_space<vmem_shared>> -> memref<128x128xf32, #tpu.memory_space<vmem_shared>>
    %dma_wait3A_246 = arith.constant 0 : i32
    %dma_wait3A_247 = arith.constant 0 : i32
    %dma_wait3A_248 = tpu.memref_slice %arg9[%dma_wait3A_237, %dma_wait3A_246, %dma_wait3A_247] : memref<2x128x128xf32, #tpu.memory_space<vmem>> -> memref<1x128x128xf32, #tpu.memory_space<vmem>>
    %dma_wait3A_249 = tpu.memref_squeeze %dma_wait3A_248 : memref<1x128x128xf32, #tpu.memory_space<vmem>> -> memref<128x128xf32, #tpu.memory_space<vmem>>
    tpu.wait_dma2 semaphore(%arg14 : memref<!tpu.dma_semaphore, #tpu.memory_space<semaphore_mem>>) src(%dma_wait3A_249 : memref<128x128xf32, #tpu.memory_space<vmem>>) dst(%dma_wait3A_245 : memref<128x128xf32, #tpu.memory_space<vmem_shared>>)
    %mul3A_250 = arith.constant 632 : i32
    %mul3A_251 = arith.muli %arg1, %mul3A_250 : i32
    %add3A_252 = arith.constant 384 : i32
    %add3A_253 = arith.addi %mul3A_251, %add3A_252 : i32
    %dma_wait3A_254 = arith.constant 0 : i32
    %dma_wait3A_255 = arith.constant 0 : i32
    %dma_wait3A_256 = arith.constant 0 : i32
    %dma_wait3A_257 = tpu.memref_slice %arg9[%dma_wait3A_254, %dma_wait3A_255, %dma_wait3A_256] : memref<2x128x128xf32, #tpu.memory_space<vmem>> -> memref<1x128x128xf32, #tpu.memory_space<vmem>>
    %dma_wait3A_258 = tpu.memref_squeeze %dma_wait3A_257 : memref<1x128x128xf32, #tpu.memory_space<vmem>> -> memref<128x128xf32, #tpu.memory_space<vmem>>
    %dma_wait3A_259 = arith.constant 0 : i32
    %dma_wait3A_260 = tpu.memref_slice %arg11[%add3A_253, %dma_wait3A_259] : memref<10112x128xf32, #tpu.memory_space<vmem_shared>> -> memref<128x128xf32, #tpu.memory_space<vmem_shared>>
    %dma_wait3A_261 = arith.constant 0 : i32
    %dma_wait3A_262 = tpu.memref_slice %arg11[%add3A_253, %dma_wait3A_261] : memref<10112x128xf32, #tpu.memory_space<vmem_shared>> -> memref<128x128xf32, #tpu.memory_space<vmem_shared>>
    %dma_wait3A_263 = arith.constant 0 : i32
    %dma_wait3A_264 = arith.constant 0 : i32
    %dma_wait3A_265 = tpu.memref_slice %arg9[%dma_wait3A_254, %dma_wait3A_263, %dma_wait3A_264] : memref<2x128x128xf32, #tpu.memory_space<vmem>> -> memref<1x128x128xf32, #tpu.memory_space<vmem>>
    %dma_wait3A_266 = tpu.memref_squeeze %dma_wait3A_265 : memref<1x128x128xf32, #tpu.memory_space<vmem>> -> memref<128x128xf32, #tpu.memory_space<vmem>>
    tpu.wait_dma2 semaphore(%arg14 : memref<!tpu.dma_semaphore, #tpu.memory_space<semaphore_mem>>) src(%dma_wait3A_266 : memref<128x128xf32, #tpu.memory_space<vmem>>) dst(%dma_wait3A_262 : memref<128x128xf32, #tpu.memory_space<vmem_shared>>)
    %mul3A_267 = arith.constant 632 : i32
    %mul3A_268 = arith.muli %arg1, %mul3A_267 : i32
    %add3A_269 = arith.constant 504 : i32
    %add3A_270 = arith.addi %mul3A_268, %add3A_269 : i32
    %dma_wait3A_271 = arith.constant 0 : i32
    %dma_wait3A_272 = arith.constant 0 : i32
    %dma_wait3A_273 = arith.constant 0 : i32
    %dma_wait3A_274 = tpu.memref_slice %arg9[%dma_wait3A_271, %dma_wait3A_272, %dma_wait3A_273] : memref<2x128x128xf32, #tpu.memory_space<vmem>> -> memref<1x128x128xf32, #tpu.memory_space<vmem>>
    %dma_wait3A_275 = tpu.memref_squeeze %dma_wait3A_274 : memref<1x128x128xf32, #tpu.memory_space<vmem>> -> memref<128x128xf32, #tpu.memory_space<vmem>>
    %dma_wait3A_276 = arith.constant 0 : i32
    %dma_wait3A_277 = tpu.memref_slice %arg11[%add3A_270, %dma_wait3A_276] : memref<10112x128xf32, #tpu.memory_space<vmem_shared>> -> memref<128x128xf32, #tpu.memory_space<vmem_shared>>
    %dma_wait3A_278 = arith.constant 0 : i32
    %dma_wait3A_279 = tpu.memref_slice %arg11[%add3A_270, %dma_wait3A_278] : memref<10112x128xf32, #tpu.memory_space<vmem_shared>> -> memref<128x128xf32, #tpu.memory_space<vmem_shared>>
    %dma_wait3A_280 = arith.constant 0 : i32
    %dma_wait3A_281 = arith.constant 0 : i32
    %dma_wait3A_282 = tpu.memref_slice %arg9[%dma_wait3A_271, %dma_wait3A_280, %dma_wait3A_281] : memref<2x128x128xf32, #tpu.memory_space<vmem>> -> memref<1x128x128xf32, #tpu.memory_space<vmem>>
    %dma_wait3A_283 = tpu.memref_squeeze %dma_wait3A_282 : memref<1x128x128xf32, #tpu.memory_space<vmem>> -> memref<128x128xf32, #tpu.memory_space<vmem>>
    tpu.wait_dma2 semaphore(%arg14 : memref<!tpu.dma_semaphore, #tpu.memory_space<semaphore_mem>>) src(%dma_wait3A_283 : memref<128x128xf32, #tpu.memory_space<vmem>>) dst(%dma_wait3A_279 : memref<128x128xf32, #tpu.memory_space<vmem_shared>>)
    %mul3A_284 = arith.constant 640 : i32
    %mul3A_285 = arith.muli %arg1, %mul3A_284 : i32
    %add3A_286 = arith.constant 0 : i32
    %add3A_287 = arith.addi %mul3A_285, %add3A_286 : i32
    %dma_wait3A_288 = arith.constant 0 : i32
    %dma_wait3A_289 = arith.constant 0 : i32
    %dma_wait3A_290 = arith.constant 0 : i32
    %dma_wait3A_291 = tpu.memref_slice %arg9[%dma_wait3A_288, %dma_wait3A_289, %dma_wait3A_290] : memref<2x128x128xf32, #tpu.memory_space<vmem>> -> memref<1x1x128xf32, #tpu.memory_space<vmem>>
    %dma_wait3A_292 = tpu.memref_squeeze %dma_wait3A_291 : memref<1x1x128xf32, #tpu.memory_space<vmem>> -> memref<128xf32, #tpu.memory_space<vmem>>
    %dma_wait3A_293 = tpu.memref_slice %arg12[%add3A_287] : memref<10240xf32, #tpu.memory_space<vmem_shared>> -> memref<128xf32, #tpu.memory_space<vmem_shared>>
    %dma_wait3A_294 = tpu.memref_slice %arg12[%add3A_287] : memref<10240xf32, #tpu.memory_space<vmem_shared>> -> memref<128xf32, #tpu.memory_space<vmem_shared>>
    %dma_wait3A_295 = arith.constant 0 : i32
    %dma_wait3A_296 = tpu.memref_slice %arg9[%dma_wait3A_288, %dma_wait3A_289, %dma_wait3A_295] : memref<2x128x128xf32, #tpu.memory_space<vmem>> -> memref<1x1x128xf32, #tpu.memory_space<vmem>>
    %dma_wait3A_297 = tpu.memref_squeeze %dma_wait3A_296 : memref<1x1x128xf32, #tpu.memory_space<vmem>> -> memref<128xf32, #tpu.memory_space<vmem>>
    tpu.wait_dma2 semaphore(%arg15 : memref<!tpu.dma_semaphore, #tpu.memory_space<semaphore_mem>>) src(%dma_wait3A_297 : memref<128xf32, #tpu.memory_space<vmem>>) dst(%dma_wait3A_294 : memref<128xf32, #tpu.memory_space<vmem_shared>>)
    %mul3A_298 = arith.constant 640 : i32
    %mul3A_299 = arith.muli %arg1, %mul3A_298 : i32
    %add3A_300 = arith.constant 128 : i32
    %add3A_301 = arith.addi %mul3A_299, %add3A_300 : i32
    %dma_wait3A_302 = arith.constant 0 : i32
    %dma_wait3A_303 = arith.constant 0 : i32
    %dma_wait3A_304 = arith.constant 0 : i32
    %dma_wait3A_305 = tpu.memref_slice %arg9[%dma_wait3A_302, %dma_wait3A_303, %dma_wait3A_304] : memref<2x128x128xf32, #tpu.memory_space<vmem>> -> memref<1x1x128xf32, #tpu.memory_space<vmem>>
    %dma_wait3A_306 = tpu.memref_squeeze %dma_wait3A_305 : memref<1x1x128xf32, #tpu.memory_space<vmem>> -> memref<128xf32, #tpu.memory_space<vmem>>
    %dma_wait3A_307 = tpu.memref_slice %arg12[%add3A_301] : memref<10240xf32, #tpu.memory_space<vmem_shared>> -> memref<128xf32, #tpu.memory_space<vmem_shared>>
    %dma_wait3A_308 = tpu.memref_slice %arg12[%add3A_301] : memref<10240xf32, #tpu.memory_space<vmem_shared>> -> memref<128xf32, #tpu.memory_space<vmem_shared>>
    %dma_wait3A_309 = arith.constant 0 : i32
    %dma_wait3A_310 = tpu.memref_slice %arg9[%dma_wait3A_302, %dma_wait3A_303, %dma_wait3A_309] : memref<2x128x128xf32, #tpu.memory_space<vmem>> -> memref<1x1x128xf32, #tpu.memory_space<vmem>>
    %dma_wait3A_311 = tpu.memref_squeeze %dma_wait3A_310 : memref<1x1x128xf32, #tpu.memory_space<vmem>> -> memref<128xf32, #tpu.memory_space<vmem>>
    tpu.wait_dma2 semaphore(%arg15 : memref<!tpu.dma_semaphore, #tpu.memory_space<semaphore_mem>>) src(%dma_wait3A_311 : memref<128xf32, #tpu.memory_space<vmem>>) dst(%dma_wait3A_308 : memref<128xf32, #tpu.memory_space<vmem_shared>>)
    %mul3A_312 = arith.constant 640 : i32
    %mul3A_313 = arith.muli %arg1, %mul3A_312 : i32
    %add3A_314 = arith.constant 256 : i32
    %add3A_315 = arith.addi %mul3A_313, %add3A_314 : i32
    %dma_wait3A_316 = arith.constant 0 : i32
    %dma_wait3A_317 = arith.constant 0 : i32
    %dma_wait3A_318 = arith.constant 0 : i32
    %dma_wait3A_319 = tpu.memref_slice %arg9[%dma_wait3A_316, %dma_wait3A_317, %dma_wait3A_318] : memref<2x128x128xf32, #tpu.memory_space<vmem>> -> memref<1x1x128xf32, #tpu.memory_space<vmem>>
    %dma_wait3A_320 = tpu.memref_squeeze %dma_wait3A_319 : memref<1x1x128xf32, #tpu.memory_space<vmem>> -> memref<128xf32, #tpu.memory_space<vmem>>
    %dma_wait3A_321 = tpu.memref_slice %arg12[%add3A_315] : memref<10240xf32, #tpu.memory_space<vmem_shared>> -> memref<128xf32, #tpu.memory_space<vmem_shared>>
    %dma_wait3A_322 = tpu.memref_slice %arg12[%add3A_315] : memref<10240xf32, #tpu.memory_space<vmem_shared>> -> memref<128xf32, #tpu.memory_space<vmem_shared>>
    %dma_wait3A_323 = arith.constant 0 : i32
    %dma_wait3A_324 = tpu.memref_slice %arg9[%dma_wait3A_316, %dma_wait3A_317, %dma_wait3A_323] : memref<2x128x128xf32, #tpu.memory_space<vmem>> -> memref<1x1x128xf32, #tpu.memory_space<vmem>>
    %dma_wait3A_325 = tpu.memref_squeeze %dma_wait3A_324 : memref<1x1x128xf32, #tpu.memory_space<vmem>> -> memref<128xf32, #tpu.memory_space<vmem>>
    tpu.wait_dma2 semaphore(%arg15 : memref<!tpu.dma_semaphore, #tpu.memory_space<semaphore_mem>>) src(%dma_wait3A_325 : memref<128xf32, #tpu.memory_space<vmem>>) dst(%dma_wait3A_322 : memref<128xf32, #tpu.memory_space<vmem_shared>>)
    %mul3A_326 = arith.constant 640 : i32
    %mul3A_327 = arith.muli %arg1, %mul3A_326 : i32
    %add3A_328 = arith.constant 384 : i32
    %add3A_329 = arith.addi %mul3A_327, %add3A_328 : i32
    %dma_wait3A_330 = arith.constant 0 : i32
    %dma_wait3A_331 = arith.constant 0 : i32
    %dma_wait3A_332 = arith.constant 0 : i32
    %dma_wait3A_333 = tpu.memref_slice %arg9[%dma_wait3A_330, %dma_wait3A_331, %dma_wait3A_332] : memref<2x128x128xf32, #tpu.memory_space<vmem>> -> memref<1x1x128xf32, #tpu.memory_space<vmem>>
    %dma_wait3A_334 = tpu.memref_squeeze %dma_wait3A_333 : memref<1x1x128xf32, #tpu.memory_space<vmem>> -> memref<128xf32, #tpu.memory_space<vmem>>
    %dma_wait3A_335 = tpu.memref_slice %arg12[%add3A_329] : memref<10240xf32, #tpu.memory_space<vmem_shared>> -> memref<128xf32, #tpu.memory_space<vmem_shared>>
    %dma_wait3A_336 = tpu.memref_slice %arg12[%add3A_329] : memref<10240xf32, #tpu.memory_space<vmem_shared>> -> memref<128xf32, #tpu.memory_space<vmem_shared>>
    %dma_wait3A_337 = arith.constant 0 : i32
    %dma_wait3A_338 = tpu.memref_slice %arg9[%dma_wait3A_330, %dma_wait3A_331, %dma_wait3A_337] : memref<2x128x128xf32, #tpu.memory_space<vmem>> -> memref<1x1x128xf32, #tpu.memory_space<vmem>>
    %dma_wait3A_339 = tpu.memref_squeeze %dma_wait3A_338 : memref<1x1x128xf32, #tpu.memory_space<vmem>> -> memref<128xf32, #tpu.memory_space<vmem>>
    tpu.wait_dma2 semaphore(%arg15 : memref<!tpu.dma_semaphore, #tpu.memory_space<semaphore_mem>>) src(%dma_wait3A_339 : memref<128xf32, #tpu.memory_space<vmem>>) dst(%dma_wait3A_336 : memref<128xf32, #tpu.memory_space<vmem_shared>>)
    %mul3A_340 = arith.constant 640 : i32
    %mul3A_341 = arith.muli %arg1, %mul3A_340 : i32
    %add3A_342 = arith.constant 512 : i32
    %add3A_343 = arith.addi %mul3A_341, %add3A_342 : i32
    %dma_wait3A_344 = arith.constant 0 : i32
    %dma_wait3A_345 = arith.constant 0 : i32
    %dma_wait3A_346 = arith.constant 0 : i32
    %dma_wait3A_347 = tpu.memref_slice %arg9[%dma_wait3A_344, %dma_wait3A_345, %dma_wait3A_346] : memref<2x128x128xf32, #tpu.memory_space<vmem>> -> memref<1x1x128xf32, #tpu.memory_space<vmem>>
    %dma_wait3A_348 = tpu.memref_squeeze %dma_wait3A_347 : memref<1x1x128xf32, #tpu.memory_space<vmem>> -> memref<128xf32, #tpu.memory_space<vmem>>
    %dma_wait3A_349 = tpu.memref_slice %arg12[%add3A_343] : memref<10240xf32, #tpu.memory_space<vmem_shared>> -> memref<128xf32, #tpu.memory_space<vmem_shared>>
    %dma_wait3A_350 = tpu.memref_slice %arg12[%add3A_343] : memref<10240xf32, #tpu.memory_space<vmem_shared>> -> memref<128xf32, #tpu.memory_space<vmem_shared>>
    %dma_wait3A_351 = arith.constant 0 : i32
    %dma_wait3A_352 = tpu.memref_slice %arg9[%dma_wait3A_344, %dma_wait3A_345, %dma_wait3A_351] : memref<2x128x128xf32, #tpu.memory_space<vmem>> -> memref<1x1x128xf32, #tpu.memory_space<vmem>>
    %dma_wait3A_353 = tpu.memref_squeeze %dma_wait3A_352 : memref<1x1x128xf32, #tpu.memory_space<vmem>> -> memref<128xf32, #tpu.memory_space<vmem>>
    tpu.wait_dma2 semaphore(%arg15 : memref<!tpu.dma_semaphore, #tpu.memory_space<semaphore_mem>>) src(%dma_wait3A_353 : memref<128xf32, #tpu.memory_space<vmem>>) dst(%dma_wait3A_350 : memref<128xf32, #tpu.memory_space<vmem_shared>>)
    %mul3A_354 = arith.constant 80 : i32
    %mul3A_355 = arith.muli %add3A, %mul3A_354 : i32
    %mul3A_356 = arith.constant 128 : i32
    %mul3A_357 = arith.muli %mul3A_355, %mul3A_356 : i32
    %dma_wait3A_358 = tpu.memref_slice %arg3[%mul3A_357] : memref<327680xi32, #tpu.memory_space<hbm>> -> memref<10240xi32, #tpu.memory_space<hbm>>
    %dma_wait3A_359 = tpu.memref_slice %arg3[%mul3A_357] : memref<327680xi32, #tpu.memory_space<hbm>> -> memref<10240xi32, #tpu.memory_space<hbm>>
    tpu.wait_dma2 semaphore(%arg13 : memref<!tpu.dma_semaphore, #tpu.memory_space<semaphore_mem>>) src(%dma_wait3A_359 : memref<10240xi32, #tpu.memory_space<hbm>>) dst(%arg6 : memref<10240xi32, #tpu.memory_space<vmem>>)
    %get3A = arith.constant 0 : index
    %get3A_360 = tpu.vector_load %arg6[%get3A] {strides = array<i32>} : memref<10240xi32, #tpu.memory_space<vmem>>, vector<16xi32>,
    %get3A_361 = vector.shape_cast %get3A_360 : vector<16xi32> to vector<16xi32>
    %and3A = arith.constant 65535 : i32
    %and3A_362 = vector.broadcast %and3A : i32 to vector<16xi32>
    %and3A_363 = arith.andi %get3A_361, %and3A_362 : vector<16xi32>
    %swap3A_364 = arith.constant 0 : i32
    %swap3A_365 = arith.index_cast %swap3A_364 : i32 to index
    %swap3A_366 = arith.constant 0 : index
    %swap3A_367 = tpu.vector_load %arg7[%swap3A_365, %swap3A_366] {strides = array<i32>} : memref<2x128xi32, #tpu.memory_space<vmem>>, vector<1x16xi32>,
    %swap3A_368 = vector.shape_cast %swap3A_367 : vector<1x16xi32> to vector<16xi32>
    %swap3A_369 = vector.shape_cast %and3A_363 : vector<16xi32> to vector<1x16xi32>
    tpu.vector_store %arg7[%swap3A_365, %swap3A_366], %swap3A_369 {strides = array<i32>} : memref<2x128xi32, #tpu.memory_space<vmem>>, vector<1x16xi32>,
    %shift_right_arithmetic3A = arith.constant 16 : i32
    %shift_right_arithmetic3A_370 = vector.broadcast %shift_right_arithmetic3A : i32 to vector<16xi32>
    %shift_right_arithmetic3A_371 = arith.shrsi %get3A_361, %shift_right_arithmetic3A_370 : vector<16xi32>
    %swap3A_372 = arith.constant 0 : i32
    %swap3A_373 = arith.index_cast %swap3A_372 : i32 to index
    %swap3A_374 = arith.constant 0 : index
    %swap3A_375 = tpu.vector_load %arg8[%swap3A_373, %swap3A_374] {strides = array<i32>} : memref<2x128xi32, #tpu.memory_space<vmem>>, vector<1x16xi32>,
    %swap3A_376 = vector.shape_cast %swap3A_375 : vector<1x16xi32> to vector<16xi32>
    %swap3A_377 = vector.shape_cast %shift_right_arithmetic3A_371 : vector<16xi32> to vector<1x16xi32>
    tpu.vector_store %arg8[%swap3A_373, %swap3A_374], %swap3A_377 {strides = array<i32>} : memref<2x128xi32, #tpu.memory_space<vmem>>, vector<1x16xi32>,
    %get3A_378 = arith.constant 16 : index
    %get3A_379 = tpu.vector_load %arg6[%get3A_378] {strides = array<i32>} : memref<10240xi32, #tpu.memory_space<vmem>>, vector<16xi32>,
    %get3A_380 = vector.shape_cast %get3A_379 : vector<16xi32> to vector<16xi32>
    %and3A_381 = arith.constant 65535 : i32
    %and3A_382 = vector.broadcast %and3A_381 : i32 to vector<16xi32>
    %and3A_383 = arith.andi %get3A_380, %and3A_382 : vector<16xi32>
    %swap3A_384 = arith.constant 0 : i32
    %swap3A_385 = arith.index_cast %swap3A_384 : i32 to index
    %swap3A_386 = arith.constant 16 : index
    %swap3A_387 = tpu.vector_load %arg7[%swap3A_385, %swap3A_386] {strides = array<i32>} : memref<2x128xi32, #tpu.memory_space<vmem>>, vector<1x16xi32>,
    %swap3A_388 = vector.shape_cast %swap3A_387 : vector<1x16xi32> to vector<16xi32>
    %swap3A_389 = vector.shape_cast %and3A_383 : vector<16xi32> to vector<1x16xi32>
    tpu.vector_store %arg7[%swap3A_385, %swap3A_386], %swap3A_389 {strides = array<i32>} : memref<2x128xi32, #tpu.memory_space<vmem>>, vector<1x16xi32>,
    %shift_right_arithmetic3A_390 = arith.constant 16 : i32
    %shift_right_arithmetic3A_391 = vector.broadcast %shift_right_arithmetic3A_390 : i32 to vector<16xi32>
    %shift_right_arithmetic3A_392 = arith.shrsi %get3A_380, %shift_right_arithmetic3A_391 : vector<16xi32>
    %swap3A_393 = arith.constant 0 : i32
    %swap3A_394 = arith.index_cast %swap3A_393 : i32 to index
    %swap3A_395 = arith.constant 16 : index
    %swap3A_396 = tpu.vector_load %arg8[%swap3A_394, %swap3A_395] {strides = array<i32>} : memref<2x128xi32, #tpu.memory_space<vmem>>, vector<1x16xi32>,
    %swap3A_397 = vector.shape_cast %swap3A_396 : vector<1x16xi32> to vector<16xi32>
    %swap3A_398 = vector.shape_cast %shift_right_arithmetic3A_392 : vector<16xi32> to vector<1x16xi32>
    tpu.vector_store %arg8[%swap3A_394, %swap3A_395], %swap3A_398 {strides = array<i32>} : memref<2x128xi32, #tpu.memory_space<vmem>>, vector<1x16xi32>,
    %get3A_399 = arith.constant 32 : index
    %get3A_400 = tpu.vector_load %arg6[%get3A_399] {strides = array<i32>} : memref<10240xi32, #tpu.memory_space<vmem>>, vector<16xi32>,
    %get3A_401 = vector.shape_cast %get3A_400 : vector<16xi32> to vector<16xi32>
    %and3A_402 = arith.constant 65535 : i32
    %and3A_403 = vector.broadcast %and3A_402 : i32 to vector<16xi32>
    %and3A_404 = arith.andi %get3A_401, %and3A_403 : vector<16xi32>
    %swap3A_405 = arith.constant 0 : i32
    %swap3A_406 = arith.index_cast %swap3A_405 : i32 to index
    %swap3A_407 = arith.constant 32 : index
    %swap3A_408 = tpu.vector_load %arg7[%swap3A_406, %swap3A_407] {strides = array<i32>} : memref<2x128xi32, #tpu.memory_space<vmem>>, vector<1x16xi32>,
    %swap3A_409 = vector.shape_cast %swap3A_408 : vector<1x16xi32> to vector<16xi32>
    %swap3A_410 = vector.shape_cast %and3A_404 : vector<16xi32> to vector<1x16xi32>
    tpu.vector_store %arg7[%swap3A_406, %swap3A_407], %swap3A_410 {strides = array<i32>} : memref<2x128xi32, #tpu.memory_space<vmem>>, vector<1x16xi32>,
    %shift_right_arithmetic3A_411 = arith.constant 16 : i32
    %shift_right_arithmetic3A_412 = vector.broadcast %shift_right_arithmetic3A_411 : i32 to vector<16xi32>
    %shift_right_arithmetic3A_413 = arith.shrsi %get3A_401, %shift_right_arithmetic3A_412 : vector<16xi32>
    %swap3A_414 = arith.constant 0 : i32
    %swap3A_415 = arith.index_cast %swap3A_414 : i32 to index
    %swap3A_416 = arith.constant 32 : index
    %swap3A_417 = tpu.vector_load %arg8[%swap3A_415, %swap3A_416] {strides = array<i32>} : memref<2x128xi32, #tpu.memory_space<vmem>>, vector<1x16xi32>,
    %swap3A_418 = vector.shape_cast %swap3A_417 : vector<1x16xi32> to vector<16xi32>
    %swap3A_419 = vector.shape_cast %shift_right_arithmetic3A_413 : vector<16xi32> to vector<1x16xi32>
    tpu.vector_store %arg8[%swap3A_415, %swap3A_416], %swap3A_419 {strides = array<i32>} : memref<2x128xi32, #tpu.memory_space<vmem>>, vector<1x16xi32>,
    %get3A_420 = arith.constant 48 : index
    %get3A_421 = tpu.vector_load %arg6[%get3A_420] {strides = array<i32>} : memref<10240xi32, #tpu.memory_space<vmem>>, vector<16xi32>,
    %get3A_422 = vector.shape_cast %get3A_421 : vector<16xi32> to vector<16xi32>
    %and3A_423 = arith.constant 65535 : i32
    %and3A_424 = vector.broadcast %and3A_423 : i32 to vector<16xi32>
    %and3A_425 = arith.andi %get3A_422, %and3A_424 : vector<16xi32>
    %swap3A_426 = arith.constant 0 : i32
    %swap3A_427 = arith.index_cast %swap3A_426 : i32 to index
    %swap3A_428 = arith.constant 48 : index
    %swap3A_429 = tpu.vector_load %arg7[%swap3A_427, %swap3A_428] {strides = array<i32>} : memref<2x128xi32, #tpu.memory_space<vmem>>, vector<1x16xi32>,
    %swap3A_430 = vector.shape_cast %swap3A_429 : vector<1x16xi32> to vector<16xi32>
    %swap3A_431 = vector.shape_cast %and3A_425 : vector<16xi32> to vector<1x16xi32>
    tpu.vector_store %arg7[%swap3A_427, %swap3A_428], %swap3A_431 {strides = array<i32>} : memref<2x128xi32, #tpu.memory_space<vmem>>, vector<1x16xi32>,
    %shift_right_arithmetic3A_432 = arith.constant 16 : i32
    %shift_right_arithmetic3A_433 = vector.broadcast %shift_right_arithmetic3A_432 : i32 to vector<16xi32>
    %shift_right_arithmetic3A_434 = arith.shrsi %get3A_422, %shift_right_arithmetic3A_433 : vector<16xi32>
    %swap3A_435 = arith.constant 0 : i32
    %swap3A_436 = arith.index_cast %swap3A_435 : i32 to index
    %swap3A_437 = arith.constant 48 : index
    %swap3A_438 = tpu.vector_load %arg8[%swap3A_436, %swap3A_437] {strides = array<i32>} : memref<2x128xi32, #tpu.memory_space<vmem>>, vector<1x16xi32>,
    %swap3A_439 = vector.shape_cast %swap3A_438 : vector<1x16xi32> to vector<16xi32>
    %swap3A_440 = vector.shape_cast %shift_right_arithmetic3A_434 : vector<16xi32> to vector<1x16xi32>
    tpu.vector_store %arg8[%swap3A_436, %swap3A_437], %swap3A_440 {strides = array<i32>} : memref<2x128xi32, #tpu.memory_space<vmem>>, vector<1x16xi32>,
    %get3A_441 = arith.constant 64 : index
    %get3A_442 = tpu.vector_load %arg6[%get3A_441] {strides = array<i32>} : memref<10240xi32, #tpu.memory_space<vmem>>, vector<16xi32>,
    %get3A_443 = vector.shape_cast %get3A_442 : vector<16xi32> to vector<16xi32>
    %and3A_444 = arith.constant 65535 : i32
    %and3A_445 = vector.broadcast %and3A_444 : i32 to vector<16xi32>
    %and3A_446 = arith.andi %get3A_443, %and3A_445 : vector<16xi32>
    %swap3A_447 = arith.constant 0 : i32
    %swap3A_448 = arith.index_cast %swap3A_447 : i32 to index
    %swap3A_449 = arith.constant 64 : index
    %swap3A_450 = tpu.vector_load %arg7[%swap3A_448, %swap3A_449] {strides = array<i32>} : memref<2x128xi32, #tpu.memory_space<vmem>>, vector<1x16xi32>,
    %swap3A_451 = vector.shape_cast %swap3A_450 : vector<1x16xi32> to vector<16xi32>
    %swap3A_452 = vector.shape_cast %and3A_446 : vector<16xi32> to vector<1x16xi32>
    tpu.vector_store %arg7[%swap3A_448, %swap3A_449], %swap3A_452 {strides = array<i32>} : memref<2x128xi32, #tpu.memory_space<vmem>>, vector<1x16xi32>,
    %shift_right_arithmetic3A_453 = arith.constant 16 : i32
    %shift_right_arithmetic3A_454 = vector.broadcast %shift_right_arithmetic3A_453 : i32 to vector<16xi32>
    %shift_right_arithmetic3A_455 = arith.shrsi %get3A_443, %shift_right_arithmetic3A_454 : vector<16xi32>
    %swap3A_456 = arith.constant 0 : i32
    %swap3A_457 = arith.index_cast %swap3A_456 : i32 to index
    %swap3A_458 = arith.constant 64 : index
    %swap3A_459 = tpu.vector_load %arg8[%swap3A_457, %swap3A_458] {strides = array<i32>} : memref<2x128xi32, #tpu.memory_space<vmem>>, vector<1x16xi32>,
    %swap3A_460 = vector.shape_cast %swap3A_459 : vector<1x16xi32> to vector<16xi32>
    %swap3A_461 = vector.shape_cast %shift_right_arithmetic3A_455 : vector<16xi32> to vector<1x16xi32>
    tpu.vector_store %arg8[%swap3A_457, %swap3A_458], %swap3A_461 {strides = array<i32>} : memref<2x128xi32, #tpu.memory_space<vmem>>, vector<1x16xi32>,
    %get3A_462 = arith.constant 80 : index
    %get3A_463 = tpu.vector_load %arg6[%get3A_462] {strides = array<i32>} : memref<10240xi32, #tpu.memory_space<vmem>>, vector<16xi32>,
    %get3A_464 = vector.shape_cast %get3A_463 : vector<16xi32> to vector<16xi32>
    %and3A_465 = arith.constant 65535 : i32
    %and3A_466 = vector.broadcast %and3A_465 : i32 to vector<16xi32>
    %and3A_467 = arith.andi %get3A_464, %and3A_466 : vector<16xi32>
    %swap3A_468 = arith.constant 0 : i32
    %swap3A_469 = arith.index_cast %swap3A_468 : i32 to index
    %swap3A_470 = arith.constant 80 : index
    %swap3A_471 = tpu.vector_load %arg7[%swap3A_469, %swap3A_470] {strides = array<i32>} : memref<2x128xi32, #tpu.memory_space<vmem>>, vector<1x16xi32>,
    %swap3A_472 = vector.shape_cast %swap3A_471 : vector<1x16xi32> to vector<16xi32>
    %swap3A_473 = vector.shape_cast %and3A_467 : vector<16xi32> to vector<1x16xi32>
    tpu.vector_store %arg7[%swap3A_469, %swap3A_470], %swap3A_473 {strides = array<i32>} : memref<2x128xi32, #tpu.memory_space<vmem>>, vector<1x16xi32>,
    %shift_right_arithmetic3A_474 = arith.constant 16 : i32
    %shift_right_arithmetic3A_475 = vector.broadcast %shift_right_arithmetic3A_474 : i32 to vector<16xi32>
    %shift_right_arithmetic3A_476 = arith.shrsi %get3A_464, %shift_right_arithmetic3A_475 : vector<16xi32>
    %swap3A_477 = arith.constant 0 : i32
    %swap3A_478 = arith.index_cast %swap3A_477 : i32 to index
    %swap3A_479 = arith.constant 80 : index
    %swap3A_480 = tpu.vector_load %arg8[%swap3A_478, %swap3A_479] {strides = array<i32>} : memref<2x128xi32, #tpu.memory_space<vmem>>, vector<1x16xi32>,
    %swap3A_481 = vector.shape_cast %swap3A_480 : vector<1x16xi32> to vector<16xi32>
    %swap3A_482 = vector.shape_cast %shift_right_arithmetic3A_476 : vector<16xi32> to vector<1x16xi32>
    tpu.vector_store %arg8[%swap3A_478, %swap3A_479], %swap3A_482 {strides = array<i32>} : memref<2x128xi32, #tpu.memory_space<vmem>>, vector<1x16xi32>,
    %get3A_483 = arith.constant 96 : index
    %get3A_484 = tpu.vector_load %arg6[%get3A_483] {strides = array<i32>} : memref<10240xi32, #tpu.memory_space<vmem>>, vector<16xi32>,
    %get3A_485 = vector.shape_cast %get3A_484 : vector<16xi32> to vector<16xi32>
    %and3A_486 = arith.constant 65535 : i32
    %and3A_487 = vector.broadcast %and3A_486 : i32 to vector<16xi32>
    %and3A_488 = arith.andi %get3A_485, %and3A_487 : vector<16xi32>
    %swap3A_489 = arith.constant 0 : i32
    %swap3A_490 = arith.index_cast %swap3A_489 : i32 to index
    %swap3A_491 = arith.constant 96 : index
    %swap3A_492 = tpu.vector_load %arg7[%swap3A_490, %swap3A_491] {strides = array<i32>} : memref<2x128xi32, #tpu.memory_space<vmem>>, vector<1x16xi32>,
    %swap3A_493 = vector.shape_cast %swap3A_492 : vector<1x16xi32> to vector<16xi32>
    %swap3A_494 = vector.shape_cast %and3A_488 : vector<16xi32> to vector<1x16xi32>
    tpu.vector_store %arg7[%swap3A_490, %swap3A_491], %swap3A_494 {strides = array<i32>} : memref<2x128xi32, #tpu.memory_space<vmem>>, vector<1x16xi32>,
    %shift_right_arithmetic3A_495 = arith.constant 16 : i32
    %shift_right_arithmetic3A_496 = vector.broadcast %shift_right_arithmetic3A_495 : i32 to vector<16xi32>
    %shift_right_arithmetic3A_497 = arith.shrsi %get3A_485, %shift_right_arithmetic3A_496 : vector<16xi32>
    %swap3A_498 = arith.constant 0 : i32
    %swap3A_499 = arith.index_cast %swap3A_498 : i32 to index
    %swap3A_500 = arith.constant 96 : index
    %swap3A_501 = tpu.vector_load %arg8[%swap3A_499, %swap3A_500] {strides = array<i32>} : memref<2x128xi32, #tpu.memory_space<vmem>>, vector<1x16xi32>,
    %swap3A_502 = vector.shape_cast %swap3A_501 : vector<1x16xi32> to vector<16xi32>
    %swap3A_503 = vector.shape_cast %shift_right_arithmetic3A_497 : vector<16xi32> to vector<1x16xi32>
    tpu.vector_store %arg8[%swap3A_499, %swap3A_500], %swap3A_503 {strides = array<i32>} : memref<2x128xi32, #tpu.memory_space<vmem>>, vector<1x16xi32>,
    %get3A_504 = arith.constant 112 : index
    %get3A_505 = tpu.vector_load %arg6[%get3A_504] {strides = array<i32>} : memref<10240xi32, #tpu.memory_space<vmem>>, vector<16xi32>,
    %get3A_506 = vector.shape_cast %get3A_505 : vector<16xi32> to vector<16xi32>
    %and3A_507 = arith.constant 65535 : i32
    %and3A_508 = vector.broadcast %and3A_507 : i32 to vector<16xi32>
    %and3A_509 = arith.andi %get3A_506, %and3A_508 : vector<16xi32>
    %swap3A_510 = arith.constant 0 : i32
    %swap3A_511 = arith.index_cast %swap3A_510 : i32 to index
    %swap3A_512 = arith.constant 112 : index
    %swap3A_513 = tpu.vector_load %arg7[%swap3A_511, %swap3A_512] {strides = array<i32>} : memref<2x128xi32, #tpu.memory_space<vmem>>, vector<1x16xi32>,
    %swap3A_514 = vector.shape_cast %swap3A_513 : vector<1x16xi32> to vector<16xi32>
    %swap3A_515 = vector.shape_cast %and3A_509 : vector<16xi32> to vector<1x16xi32>
    tpu.vector_store %arg7[%swap3A_511, %swap3A_512], %swap3A_515 {strides = array<i32>} : memref<2x128xi32, #tpu.memory_space<vmem>>, vector<1x16xi32>,
    %shift_right_arithmetic3A_516 = arith.constant 16 : i32
    %shift_right_arithmetic3A_517 = vector.broadcast %shift_right_arithmetic3A_516 : i32 to vector<16xi32>
    %shift_right_arithmetic3A_518 = arith.shrsi %get3A_506, %shift_right_arithmetic3A_517 : vector<16xi32>
    %swap3A_519 = arith.constant 0 : i32
    %swap3A_520 = arith.index_cast %swap3A_519 : i32 to index
    %swap3A_521 = arith.constant 112 : index
    %swap3A_522 = tpu.vector_load %arg8[%swap3A_520, %swap3A_521] {strides = array<i32>} : memref<2x128xi32, #tpu.memory_space<vmem>>, vector<1x16xi32>,
    %swap3A_523 = vector.shape_cast %swap3A_522 : vector<1x16xi32> to vector<16xi32>
    %swap3A_524 = vector.shape_cast %shift_right_arithmetic3A_518 : vector<16xi32> to vector<1x16xi32>
    tpu.vector_store %arg8[%swap3A_520, %swap3A_521], %swap3A_524 {strides = array<i32>} : memref<2x128xi32, #tpu.memory_space<vmem>>, vector<1x16xi32>,
    %dma_start3A_525 = arith.constant 0 : i32
    %dma_start3A_526 = arith.constant 0 : i32
    %dma_start3A_527 = arith.constant 0 : i32
    %dma_start3A_528 = arith.constant 0 : i32
    %dma_start3A_529 = tpu.memref_slice %arg9[%dma_start3A_526, %dma_start3A_527, %dma_start3A_528] : memref<2x128x128xf32, #tpu.memory_space<vmem>> -> memref<1x128x128xf32, #tpu.memory_space<vmem>>
    %dma_start3A_530 = tpu.memref_squeeze %dma_start3A_529 : memref<1x128x128xf32, #tpu.memory_space<vmem>> -> memref<128x128xf32, #tpu.memory_space<vmem>>
    %dma_start3A_531 = arith.constant 0 : i32
    %dma_start3A_532 = tpu.memref_slice %arg7[%dma_start3A_525, %dma_start3A_531] : memref<2x128xi32, #tpu.memory_space<vmem>> -> memref<1x128xi32, #tpu.memory_space<vmem>>
    %dma_start3A_533 = tpu.memref_squeeze %dma_start3A_532 : memref<1x128xi32, #tpu.memory_space<vmem>> -> memref<128xi32, #tpu.memory_space<vmem>>
    %dma_start3A_534 = arith.constant 0 : i32
    %dma_start3A_535 = arith.constant 0 : i32
    %dma_start3A_536 = tpu.memref_slice %arg2[%dma_start3A_534, %dma_start3A_535] : memref<10000x128xf32, #tpu.memory_space<hbm>> -> memref<10000x128xf32, #tpu.memory_space<hbm>>
    tpu.enqueue_indirect_dma source(%dma_start3A_536 : memref<10000x128xf32, #tpu.memory_space<hbm>>) target(%dma_start3A_530 : memref<128x128xf32, #tpu.memory_space<vmem>>) offsets(%dma_start3A_533 : memref<128xi32, #tpu.memory_space<vmem>>) semaphore(%arg13 : memref<!tpu.dma_semaphore, #tpu.memory_space<semaphore_mem>>)
    %barrier3A = arith.constant 0 : index
    tpu.barrier barrier_id(%barrier3A)
    %scan3A_537 = arith.constant 0 : i32
    %scan3A_538 = arith.constant 0 : i32
    %scan3A_539 = arith.constant 80 : i32
    %scan3A_540 = arith.addi %scan3A_538, %scan3A_539 : i32
    %scan3A_541 = arith.constant 1 : i32
    scf.for %scan3A_566 = %scan3A_538 to %scan3A_540 step %scan3A_541  : i32 {
      %and3A_567 = arith.constant 1 : i32
      %and3A_568 = arith.andi %scan3A_566, %and3A_567 : i32
      %ge3A = arith.constant 1 : i32
      %ge3A_569 = arith.cmpi sge, %scan3A_566, %ge3A : i32
      %convert_element_type3A = arith.extui %ge3A_569 : i1 to i32
      %cond3A = arith.constant 0 : i32
      %cond3A_570 = arith.cmpi ne, %convert_element_type3A, %cond3A : i32
      scf.if %cond3A_570 {
        %sub3A = arith.constant 1 : i32
        %sub3A_602 = arith.subi %sub3A, %and3A_568 : i32
        %dma_wait3A_603 = arith.constant 0 : i32
        %dma_wait3A_604 = arith.constant 0 : i32
        %dma_wait3A_605 = tpu.memref_slice %arg9[%sub3A_602, %dma_wait3A_603, %dma_wait3A_604] : memref<2x128x128xf32, #tpu.memory_space<vmem>> -> memref<1x128x128xf32, #tpu.memory_space<vmem>>
        %dma_wait3A_606 = tpu.memref_squeeze %dma_wait3A_605 : memref<1x128x128xf32, #tpu.memory_space<vmem>> -> memref<128x128xf32, #tpu.memory_space<vmem>>
        %dma_wait3A_607 = arith.constant 0 : i32
        %dma_wait3A_608 = tpu.memref_slice %arg8[%sub3A_602, %dma_wait3A_607] : memref<2x128xi32, #tpu.memory_space<vmem>> -> memref<1x128xi32, #tpu.memory_space<vmem>>
        %dma_wait3A_609 = tpu.memref_squeeze %dma_wait3A_608 : memref<1x128xi32, #tpu.memory_space<vmem>> -> memref<128xi32, #tpu.memory_space<vmem>>
        %dma_wait3A_610 = arith.constant 0 : i32
        %dma_wait3A_611 = arith.constant 0 : i32
        %dma_wait3A_612 = tpu.memref_slice %arg11[%dma_wait3A_610, %dma_wait3A_611] : memref<10112x128xf32, #tpu.memory_space<vmem_shared>> -> memref<10112x128xf32, #tpu.memory_space<vmem_shared>>
        tpu.wait_indirect_dma semaphore(%arg14 : memref<!tpu.dma_semaphore, #tpu.memory_space<semaphore_mem>>) src(%dma_wait3A_606 : memref<128x128xf32, #tpu.memory_space<vmem>>) dst(%dma_wait3A_612 : memref<10112x128xf32, #tpu.memory_space<vmem_shared>>)
        %dma_wait3A_613 = arith.constant 0 : i32
        %dma_wait3A_614 = tpu.memref_slice %arg8[%sub3A_602, %dma_wait3A_613] : memref<2x128xi32, #tpu.memory_space<vmem>> -> memref<1x128xi32, #tpu.memory_space<vmem>>
        %dma_wait3A_615 = tpu.memref_squeeze %dma_wait3A_614 : memref<1x128xi32, #tpu.memory_space<vmem>> -> memref<128xi32, #tpu.memory_space<vmem>>
        %dma_wait3A_616 = arith.constant 0 : i32
        %dma_wait3A_617 = tpu.memref_slice %arg12[%dma_wait3A_616] : memref<10240xf32, #tpu.memory_space<vmem_shared>> -> memref<10240xf32, #tpu.memory_space<vmem_shared>>
        tpu.wait_indirect_dma semaphore(%arg15 : memref<!tpu.dma_semaphore, #tpu.memory_space<semaphore_mem>>) src(%arg10 : memref<128xf32, #tpu.memory_space<vmem>>) dst(%dma_wait3A_617 : memref<10240xf32, #tpu.memory_space<vmem_shared>>)
      } else {
      }
      %add3A_571 = arith.constant 1 : i32
      %add3A_572 = arith.addi %scan3A_566, %add3A_571 : i32
      %lt3A = arith.constant 80 : i32
      %lt3A_573 = arith.cmpi slt, %add3A_572, %lt3A : i32
      %convert_element_type3A_574 = arith.extui %lt3A_573 : i1 to i32
      %cond3A_575 = arith.constant 0 : i32
      %cond3A_576 = arith.cmpi ne, %convert_element_type3A_574, %cond3A_575 : i32
      scf.if %cond3A_576 {
        %add3A_602 = arith.constant 1 : i32
        %add3A_603 = arith.addi %scan3A_566, %add3A_602 : i32
        %sub3A = arith.constant 1 : i32
        %sub3A_604 = arith.subi %sub3A, %and3A_568 : i32
        %mul3A_605 = arith.constant 128 : i32
        %mul3A_606 = arith.muli %add3A_603, %mul3A_605 : i32
        %add3A_607 = arith.constant 0 : i32
        %add3A_608 = arith.addi %mul3A_606, %add3A_607 : i32
        %get3A_609 = arith.index_cast %add3A_608 : i32 to index
        %get3A_610 = tpu.vector_load %arg6[%get3A_609] {strides = array<i32>} : memref<10240xi32, #tpu.memory_space<vmem>>, vector<16xi32>,
        %get3A_611 = vector.shape_cast %get3A_610 : vector<16xi32> to vector<16xi32>
        %and3A_612 = arith.constant 65535 : i32
        %and3A_613 = vector.broadcast %and3A_612 : i32 to vector<16xi32>
        %and3A_614 = arith.andi %get3A_611, %and3A_613 : vector<16xi32>
        %swap3A_615 = arith.index_cast %sub3A_604 : i32 to index
        %swap3A_616 = arith.constant 0 : index
        %swap3A_617 = tpu.vector_load %arg7[%swap3A_615, %swap3A_616] {strides = array<i32>} : memref<2x128xi32, #tpu.memory_space<vmem>>, vector<1x16xi32>,
        %swap3A_618 = vector.shape_cast %swap3A_617 : vector<1x16xi32> to vector<16xi32>
        %swap3A_619 = vector.shape_cast %and3A_614 : vector<16xi32> to vector<1x16xi32>
        tpu.vector_store %arg7[%swap3A_615, %swap3A_616], %swap3A_619 {strides = array<i32>} : memref<2x128xi32, #tpu.memory_space<vmem>>, vector<1x16xi32>,
        %shift_right_arithmetic3A_620 = arith.constant 16 : i32
        %shift_right_arithmetic3A_621 = vector.broadcast %shift_right_arithmetic3A_620 : i32 to vector<16xi32>
        %shift_right_arithmetic3A_622 = arith.shrsi %get3A_611, %shift_right_arithmetic3A_621 : vector<16xi32>
        %swap3A_623 = arith.index_cast %sub3A_604 : i32 to index
        %swap3A_624 = arith.constant 0 : index
        %swap3A_625 = tpu.vector_load %arg8[%swap3A_623, %swap3A_624] {strides = array<i32>} : memref<2x128xi32, #tpu.memory_space<vmem>>, vector<1x16xi32>,
        %swap3A_626 = vector.shape_cast %swap3A_625 : vector<1x16xi32> to vector<16xi32>
        %swap3A_627 = vector.shape_cast %shift_right_arithmetic3A_622 : vector<16xi32> to vector<1x16xi32>
        tpu.vector_store %arg8[%swap3A_623, %swap3A_624], %swap3A_627 {strides = array<i32>} : memref<2x128xi32, #tpu.memory_space<vmem>>, vector<1x16xi32>,
        %mul3A_628 = arith.constant 128 : i32
        %mul3A_629 = arith.muli %add3A_603, %mul3A_628 : i32
        %add3A_630 = arith.constant 16 : i32
        %add3A_631 = arith.addi %mul3A_629, %add3A_630 : i32
        %get3A_632 = arith.index_cast %add3A_631 : i32 to index
        %get3A_633 = tpu.vector_load %arg6[%get3A_632] {strides = array<i32>} : memref<10240xi32, #tpu.memory_space<vmem>>, vector<16xi32>,
        %get3A_634 = vector.shape_cast %get3A_633 : vector<16xi32> to vector<16xi32>
        %and3A_635 = arith.constant 65535 : i32
        %and3A_636 = vector.broadcast %and3A_635 : i32 to vector<16xi32>
        %and3A_637 = arith.andi %get3A_634, %and3A_636 : vector<16xi32>
        %swap3A_638 = arith.index_cast %sub3A_604 : i32 to index
        %swap3A_639 = arith.constant 16 : index
        %swap3A_640 = tpu.vector_load %arg7[%swap3A_638, %swap3A_639] {strides = array<i32>} : memref<2x128xi32, #tpu.memory_space<vmem>>, vector<1x16xi32>,
        %swap3A_641 = vector.shape_cast %swap3A_640 : vector<1x16xi32> to vector<16xi32>
        %swap3A_642 = vector.shape_cast %and3A_637 : vector<16xi32> to vector<1x16xi32>
        tpu.vector_store %arg7[%swap3A_638, %swap3A_639], %swap3A_642 {strides = array<i32>} : memref<2x128xi32, #tpu.memory_space<vmem>>, vector<1x16xi32>,
        %shift_right_arithmetic3A_643 = arith.constant 16 : i32
        %shift_right_arithmetic3A_644 = vector.broadcast %shift_right_arithmetic3A_643 : i32 to vector<16xi32>
        %shift_right_arithmetic3A_645 = arith.shrsi %get3A_634, %shift_right_arithmetic3A_644 : vector<16xi32>
        %swap3A_646 = arith.index_cast %sub3A_604 : i32 to index
        %swap3A_647 = arith.constant 16 : index
        %swap3A_648 = tpu.vector_load %arg8[%swap3A_646, %swap3A_647] {strides = array<i32>} : memref<2x128xi32, #tpu.memory_space<vmem>>, vector<1x16xi32>,
        %swap3A_649 = vector.shape_cast %swap3A_648 : vector<1x16xi32> to vector<16xi32>
        %swap3A_650 = vector.shape_cast %shift_right_arithmetic3A_645 : vector<16xi32> to vector<1x16xi32>
        tpu.vector_store %arg8[%swap3A_646, %swap3A_647], %swap3A_650 {strides = array<i32>} : memref<2x128xi32, #tpu.memory_space<vmem>>, vector<1x16xi32>,
        %mul3A_651 = arith.constant 128 : i32
        %mul3A_652 = arith.muli %add3A_603, %mul3A_651 : i32
        %add3A_653 = arith.constant 32 : i32
        %add3A_654 = arith.addi %mul3A_652, %add3A_653 : i32
        %get3A_655 = arith.index_cast %add3A_654 : i32 to index
        %get3A_656 = tpu.vector_load %arg6[%get3A_655] {strides = array<i32>} : memref<10240xi32, #tpu.memory_space<vmem>>, vector<16xi32>,
        %get3A_657 = vector.shape_cast %get3A_656 : vector<16xi32> to vector<16xi32>
        %and3A_658 = arith.constant 65535 : i32
        %and3A_659 = vector.broadcast %and3A_658 : i32 to vector<16xi32>
        %and3A_660 = arith.andi %get3A_657, %and3A_659 : vector<16xi32>
        %swap3A_661 = arith.index_cast %sub3A_604 : i32 to index
        %swap3A_662 = arith.constant 32 : index
        %swap3A_663 = tpu.vector_load %arg7[%swap3A_661, %swap3A_662] {strides = array<i32>} : memref<2x128xi32, #tpu.memory_space<vmem>>, vector<1x16xi32>,
        %swap3A_664 = vector.shape_cast %swap3A_663 : vector<1x16xi32> to vector<16xi32>
        %swap3A_665 = vector.shape_cast %and3A_660 : vector<16xi32> to vector<1x16xi32>
        tpu.vector_store %arg7[%swap3A_661, %swap3A_662], %swap3A_665 {strides = array<i32>} : memref<2x128xi32, #tpu.memory_space<vmem>>, vector<1x16xi32>,
        %shift_right_arithmetic3A_666 = arith.constant 16 : i32
        %shift_right_arithmetic3A_667 = vector.broadcast %shift_right_arithmetic3A_666 : i32 to vector<16xi32>
        %shift_right_arithmetic3A_668 = arith.shrsi %get3A_657, %shift_right_arithmetic3A_667 : vector<16xi32>
        %swap3A_669 = arith.index_cast %sub3A_604 : i32 to index
        %swap3A_670 = arith.constant 32 : index
        %swap3A_671 = tpu.vector_load %arg8[%swap3A_669, %swap3A_670] {strides = array<i32>} : memref<2x128xi32, #tpu.memory_space<vmem>>, vector<1x16xi32>,
        %swap3A_672 = vector.shape_cast %swap3A_671 : vector<1x16xi32> to vector<16xi32>
        %swap3A_673 = vector.shape_cast %shift_right_arithmetic3A_668 : vector<16xi32> to vector<1x16xi32>
        tpu.vector_store %arg8[%swap3A_669, %swap3A_670], %swap3A_673 {strides = array<i32>} : memref<2x128xi32, #tpu.memory_space<vmem>>, vector<1x16xi32>,
        %mul3A_674 = arith.constant 128 : i32
        %mul3A_675 = arith.muli %add3A_603, %mul3A_674 : i32
        %add3A_676 = arith.constant 48 : i32
        %add3A_677 = arith.addi %mul3A_675, %add3A_676 : i32
        %get3A_678 = arith.index_cast %add3A_677 : i32 to index
        %get3A_679 = tpu.vector_load %arg6[%get3A_678] {strides = array<i32>} : memref<10240xi32, #tpu.memory_space<vmem>>, vector<16xi32>,
        %get3A_680 = vector.shape_cast %get3A_679 : vector<16xi32> to vector<16xi32>
        %and3A_681 = arith.constant 65535 : i32
        %and3A_682 = vector.broadcast %and3A_681 : i32 to vector<16xi32>
        %and3A_683 = arith.andi %get3A_680, %and3A_682 : vector<16xi32>
        %swap3A_684 = arith.index_cast %sub3A_604 : i32 to index
        %swap3A_685 = arith.constant 48 : index
        %swap3A_686 = tpu.vector_load %arg7[%swap3A_684, %swap3A_685] {strides = array<i32>} : memref<2x128xi32, #tpu.memory_space<vmem>>, vector<1x16xi32>,
        %swap3A_687 = vector.shape_cast %swap3A_686 : vector<1x16xi32> to vector<16xi32>
        %swap3A_688 = vector.shape_cast %and3A_683 : vector<16xi32> to vector<1x16xi32>
        tpu.vector_store %arg7[%swap3A_684, %swap3A_685], %swap3A_688 {strides = array<i32>} : memref<2x128xi32, #tpu.memory_space<vmem>>, vector<1x16xi32>,
        %shift_right_arithmetic3A_689 = arith.constant 16 : i32
        %shift_right_arithmetic3A_690 = vector.broadcast %shift_right_arithmetic3A_689 : i32 to vector<16xi32>
        %shift_right_arithmetic3A_691 = arith.shrsi %get3A_680, %shift_right_arithmetic3A_690 : vector<16xi32>
        %swap3A_692 = arith.index_cast %sub3A_604 : i32 to index
        %swap3A_693 = arith.constant 48 : index
        %swap3A_694 = tpu.vector_load %arg8[%swap3A_692, %swap3A_693] {strides = array<i32>} : memref<2x128xi32, #tpu.memory_space<vmem>>, vector<1x16xi32>,
        %swap3A_695 = vector.shape_cast %swap3A_694 : vector<1x16xi32> to vector<16xi32>
        %swap3A_696 = vector.shape_cast %shift_right_arithmetic3A_691 : vector<16xi32> to vector<1x16xi32>
        tpu.vector_store %arg8[%swap3A_692, %swap3A_693], %swap3A_696 {strides = array<i32>} : memref<2x128xi32, #tpu.memory_space<vmem>>, vector<1x16xi32>,
        %mul3A_697 = arith.constant 128 : i32
        %mul3A_698 = arith.muli %add3A_603, %mul3A_697 : i32
        %add3A_699 = arith.constant 64 : i32
        %add3A_700 = arith.addi %mul3A_698, %add3A_699 : i32
        %get3A_701 = arith.index_cast %add3A_700 : i32 to index
        %get3A_702 = tpu.vector_load %arg6[%get3A_701] {strides = array<i32>} : memref<10240xi32, #tpu.memory_space<vmem>>, vector<16xi32>,
        %get3A_703 = vector.shape_cast %get3A_702 : vector<16xi32> to vector<16xi32>
        %and3A_704 = arith.constant 65535 : i32
        %and3A_705 = vector.broadcast %and3A_704 : i32 to vector<16xi32>
        %and3A_706 = arith.andi %get3A_703, %and3A_705 : vector<16xi32>
        %swap3A_707 = arith.index_cast %sub3A_604 : i32 to index
        %swap3A_708 = arith.constant 64 : index
        %swap3A_709 = tpu.vector_load %arg7[%swap3A_707, %swap3A_708] {strides = array<i32>} : memref<2x128xi32, #tpu.memory_space<vmem>>, vector<1x16xi32>,
        %swap3A_710 = vector.shape_cast %swap3A_709 : vector<1x16xi32> to vector<16xi32>
        %swap3A_711 = vector.shape_cast %and3A_706 : vector<16xi32> to vector<1x16xi32>
        tpu.vector_store %arg7[%swap3A_707, %swap3A_708], %swap3A_711 {strides = array<i32>} : memref<2x128xi32, #tpu.memory_space<vmem>>, vector<1x16xi32>,
        %shift_right_arithmetic3A_712 = arith.constant 16 : i32
        %shift_right_arithmetic3A_713 = vector.broadcast %shift_right_arithmetic3A_712 : i32 to vector<16xi32>
        %shift_right_arithmetic3A_714 = arith.shrsi %get3A_703, %shift_right_arithmetic3A_713 : vector<16xi32>
        %swap3A_715 = arith.index_cast %sub3A_604 : i32 to index
        %swap3A_716 = arith.constant 64 : index
        %swap3A_717 = tpu.vector_load %arg8[%swap3A_715, %swap3A_716] {strides = array<i32>} : memref<2x128xi32, #tpu.memory_space<vmem>>, vector<1x16xi32>,
        %swap3A_718 = vector.shape_cast %swap3A_717 : vector<1x16xi32> to vector<16xi32>
        %swap3A_719 = vector.shape_cast %shift_right_arithmetic3A_714 : vector<16xi32> to vector<1x16xi32>
        tpu.vector_store %arg8[%swap3A_715, %swap3A_716], %swap3A_719 {strides = array<i32>} : memref<2x128xi32, #tpu.memory_space<vmem>>, vector<1x16xi32>,
        %mul3A_720 = arith.constant 128 : i32
        %mul3A_721 = arith.muli %add3A_603, %mul3A_720 : i32
        %add3A_722 = arith.constant 80 : i32
        %add3A_723 = arith.addi %mul3A_721, %add3A_722 : i32
        %get3A_724 = arith.index_cast %add3A_723 : i32 to index
        %get3A_725 = tpu.vector_load %arg6[%get3A_724] {strides = array<i32>} : memref<10240xi32, #tpu.memory_space<vmem>>, vector<16xi32>,
        %get3A_726 = vector.shape_cast %get3A_725 : vector<16xi32> to vector<16xi32>
        %and3A_727 = arith.constant 65535 : i32
        %and3A_728 = vector.broadcast %and3A_727 : i32 to vector<16xi32>
        %and3A_729 = arith.andi %get3A_726, %and3A_728 : vector<16xi32>
        %swap3A_730 = arith.index_cast %sub3A_604 : i32 to index
        %swap3A_731 = arith.constant 80 : index
        %swap3A_732 = tpu.vector_load %arg7[%swap3A_730, %swap3A_731] {strides = array<i32>} : memref<2x128xi32, #tpu.memory_space<vmem>>, vector<1x16xi32>,
        %swap3A_733 = vector.shape_cast %swap3A_732 : vector<1x16xi32> to vector<16xi32>
        %swap3A_734 = vector.shape_cast %and3A_729 : vector<16xi32> to vector<1x16xi32>
        tpu.vector_store %arg7[%swap3A_730, %swap3A_731], %swap3A_734 {strides = array<i32>} : memref<2x128xi32, #tpu.memory_space<vmem>>, vector<1x16xi32>,
        %shift_right_arithmetic3A_735 = arith.constant 16 : i32
        %shift_right_arithmetic3A_736 = vector.broadcast %shift_right_arithmetic3A_735 : i32 to vector<16xi32>
        %shift_right_arithmetic3A_737 = arith.shrsi %get3A_726, %shift_right_arithmetic3A_736 : vector<16xi32>
        %swap3A_738 = arith.index_cast %sub3A_604 : i32 to index
        %swap3A_739 = arith.constant 80 : index
        %swap3A_740 = tpu.vector_load %arg8[%swap3A_738, %swap3A_739] {strides = array<i32>} : memref<2x128xi32, #tpu.memory_space<vmem>>, vector<1x16xi32>,
        %swap3A_741 = vector.shape_cast %swap3A_740 : vector<1x16xi32> to vector<16xi32>
        %swap3A_742 = vector.shape_cast %shift_right_arithmetic3A_737 : vector<16xi32> to vector<1x16xi32>
        tpu.vector_store %arg8[%swap3A_738, %swap3A_739], %swap3A_742 {strides = array<i32>} : memref<2x128xi32, #tpu.memory_space<vmem>>, vector<1x16xi32>,
        %mul3A_743 = arith.constant 128 : i32
        %mul3A_744 = arith.muli %add3A_603, %mul3A_743 : i32
        %add3A_745 = arith.constant 96 : i32
        %add3A_746 = arith.addi %mul3A_744, %add3A_745 : i32
        %get3A_747 = arith.index_cast %add3A_746 : i32 to index
        %get3A_748 = tpu.vector_load %arg6[%get3A_747] {strides = array<i32>} : memref<10240xi32, #tpu.memory_space<vmem>>, vector<16xi32>,
        %get3A_749 = vector.shape_cast %get3A_748 : vector<16xi32> to vector<16xi32>
        %and3A_750 = arith.constant 65535 : i32
        %and3A_751 = vector.broadcast %and3A_750 : i32 to vector<16xi32>
        %and3A_752 = arith.andi %get3A_749, %and3A_751 : vector<16xi32>
        %swap3A_753 = arith.index_cast %sub3A_604 : i32 to index
        %swap3A_754 = arith.constant 96 : index
        %swap3A_755 = tpu.vector_load %arg7[%swap3A_753, %swap3A_754] {strides = array<i32>} : memref<2x128xi32, #tpu.memory_space<vmem>>, vector<1x16xi32>,
        %swap3A_756 = vector.shape_cast %swap3A_755 : vector<1x16xi32> to vector<16xi32>
        %swap3A_757 = vector.shape_cast %and3A_752 : vector<16xi32> to vector<1x16xi32>
        tpu.vector_store %arg7[%swap3A_753, %swap3A_754], %swap3A_757 {strides = array<i32>} : memref<2x128xi32, #tpu.memory_space<vmem>>, vector<1x16xi32>,
        %shift_right_arithmetic3A_758 = arith.constant 16 : i32
        %shift_right_arithmetic3A_759 = vector.broadcast %shift_right_arithmetic3A_758 : i32 to vector<16xi32>
        %shift_right_arithmetic3A_760 = arith.shrsi %get3A_749, %shift_right_arithmetic3A_759 : vector<16xi32>
        %swap3A_761 = arith.index_cast %sub3A_604 : i32 to index
        %swap3A_762 = arith.constant 96 : index
        %swap3A_763 = tpu.vector_load %arg8[%swap3A_761, %swap3A_762] {strides = array<i32>} : memref<2x128xi32, #tpu.memory_space<vmem>>, vector<1x16xi32>,
        %swap3A_764 = vector.shape_cast %swap3A_763 : vector<1x16xi32> to vector<16xi32>
        %swap3A_765 = vector.shape_cast %shift_right_arithmetic3A_760 : vector<16xi32> to vector<1x16xi32>
        tpu.vector_store %arg8[%swap3A_761, %swap3A_762], %swap3A_765 {strides = array<i32>} : memref<2x128xi32, #tpu.memory_space<vmem>>, vector<1x16xi32>,
        %mul3A_766 = arith.constant 128 : i32
        %mul3A_767 = arith.muli %add3A_603, %mul3A_766 : i32
        %add3A_768 = arith.constant 112 : i32
        %add3A_769 = arith.addi %mul3A_767, %add3A_768 : i32
        %get3A_770 = arith.index_cast %add3A_769 : i32 to index
        %get3A_771 = tpu.vector_load %arg6[%get3A_770] {strides = array<i32>} : memref<10240xi32, #tpu.memory_space<vmem>>, vector<16xi32>,
        %get3A_772 = vector.shape_cast %get3A_771 : vector<16xi32> to vector<16xi32>
        %and3A_773 = arith.constant 65535 : i32
        %and3A_774 = vector.broadcast %and3A_773 : i32 to vector<16xi32>
        %and3A_775 = arith.andi %get3A_772, %and3A_774 : vector<16xi32>
        %swap3A_776 = arith.index_cast %sub3A_604 : i32 to index
        %swap3A_777 = arith.constant 112 : index
        %swap3A_778 = tpu.vector_load %arg7[%swap3A_776, %swap3A_777] {strides = array<i32>} : memref<2x128xi32, #tpu.memory_space<vmem>>, vector<1x16xi32>,
        %swap3A_779 = vector.shape_cast %swap3A_778 : vector<1x16xi32> to vector<16xi32>
        %swap3A_780 = vector.shape_cast %and3A_775 : vector<16xi32> to vector<1x16xi32>
        tpu.vector_store %arg7[%swap3A_776, %swap3A_777], %swap3A_780 {strides = array<i32>} : memref<2x128xi32, #tpu.memory_space<vmem>>, vector<1x16xi32>,
        %shift_right_arithmetic3A_781 = arith.constant 16 : i32
        %shift_right_arithmetic3A_782 = vector.broadcast %shift_right_arithmetic3A_781 : i32 to vector<16xi32>
        %shift_right_arithmetic3A_783 = arith.shrsi %get3A_772, %shift_right_arithmetic3A_782 : vector<16xi32>
        %swap3A_784 = arith.index_cast %sub3A_604 : i32 to index
        %swap3A_785 = arith.constant 112 : index
        %swap3A_786 = tpu.vector_load %arg8[%swap3A_784, %swap3A_785] {strides = array<i32>} : memref<2x128xi32, #tpu.memory_space<vmem>>, vector<1x16xi32>,
        %swap3A_787 = vector.shape_cast %swap3A_786 : vector<1x16xi32> to vector<16xi32>
        %swap3A_788 = vector.shape_cast %shift_right_arithmetic3A_783 : vector<16xi32> to vector<1x16xi32>
        tpu.vector_store %arg8[%swap3A_784, %swap3A_785], %swap3A_788 {strides = array<i32>} : memref<2x128xi32, #tpu.memory_space<vmem>>, vector<1x16xi32>,
        %sub3A_789 = arith.constant 1 : i32
        %sub3A_790 = arith.subi %sub3A_789, %and3A_568 : i32
        %sub3A_791 = arith.constant 1 : i32
        %sub3A_792 = arith.subi %sub3A_791, %and3A_568 : i32
        %dma_start3A_793 = arith.constant 0 : i32
        %dma_start3A_794 = arith.constant 0 : i32
        %dma_start3A_795 = tpu.memref_slice %arg9[%sub3A_792, %dma_start3A_793, %dma_start3A_794] : memref<2x128x128xf32, #tpu.memory_space<vmem>> -> memref<1x128x128xf32, #tpu.memory_space<vmem>>
        %dma_start3A_796 = tpu.memref_squeeze %dma_start3A_795 : memref<1x128x128xf32, #tpu.memory_space<vmem>> -> memref<128x128xf32, #tpu.memory_space<vmem>>
        %dma_start3A_797 = arith.constant 0 : i32
        %dma_start3A_798 = tpu.memref_slice %arg7[%sub3A_790, %dma_start3A_797] : memref<2x128xi32, #tpu.memory_space<vmem>> -> memref<1x128xi32, #tpu.memory_space<vmem>>
        %dma_start3A_799 = tpu.memref_squeeze %dma_start3A_798 : memref<1x128xi32, #tpu.memory_space<vmem>> -> memref<128xi32, #tpu.memory_space<vmem>>
        %dma_start3A_800 = arith.constant 0 : i32
        %dma_start3A_801 = arith.constant 0 : i32
        %dma_start3A_802 = tpu.memref_slice %arg2[%dma_start3A_800, %dma_start3A_801] : memref<10000x128xf32, #tpu.memory_space<hbm>> -> memref<10000x128xf32, #tpu.memory_space<hbm>>
        tpu.enqueue_indirect_dma source(%dma_start3A_802 : memref<10000x128xf32, #tpu.memory_space<hbm>>) target(%dma_start3A_796 : memref<128x128xf32, #tpu.memory_space<vmem>>) offsets(%dma_start3A_799 : memref<128xi32, #tpu.memory_space<vmem>>) semaphore(%arg13 : memref<!tpu.dma_semaphore, #tpu.memory_space<semaphore_mem>>)
      } else {
      }
      %dma_wait3A_577 = arith.constant 0 : i32
      %dma_wait3A_578 = arith.constant 0 : i32
      %dma_wait3A_579 = tpu.memref_slice %arg9[%and3A_568, %dma_wait3A_577, %dma_wait3A_578] : memref<2x128x128xf32, #tpu.memory_space<vmem>> -> memref<1x128x128xf32, #tpu.memory_space<vmem>>
      %dma_wait3A_580 = tpu.memref_squeeze %dma_wait3A_579 : memref<1x128x128xf32, #tpu.memory_space<vmem>> -> memref<128x128xf32, #tpu.memory_space<vmem>>
      %dma_wait3A_581 = arith.constant 0 : i32
      %dma_wait3A_582 = tpu.memref_slice %arg7[%and3A_568, %dma_wait3A_581] : memref<2x128xi32, #tpu.memory_space<vmem>> -> memref<1x128xi32, #tpu.memory_space<vmem>>
      %dma_wait3A_583 = tpu.memref_squeeze %dma_wait3A_582 : memref<1x128xi32, #tpu.memory_space<vmem>> -> memref<128xi32, #tpu.memory_space<vmem>>
      %dma_wait3A_584 = arith.constant 0 : i32
      %dma_wait3A_585 = arith.constant 0 : i32
      %dma_wait3A_586 = tpu.memref_slice %arg2[%dma_wait3A_584, %dma_wait3A_585] : memref<10000x128xf32, #tpu.memory_space<hbm>> -> memref<10000x128xf32, #tpu.memory_space<hbm>>
      tpu.wait_indirect_dma semaphore(%arg13 : memref<!tpu.dma_semaphore, #tpu.memory_space<semaphore_mem>>) src(%dma_wait3A_586 : memref<10000x128xf32, #tpu.memory_space<hbm>>) dst(%dma_wait3A_580 : memref<128x128xf32, #tpu.memory_space<vmem>>)
      %dma_start3A_587 = arith.constant 0 : i32
      %dma_start3A_588 = arith.constant 0 : i32
      %dma_start3A_589 = tpu.memref_slice %arg9[%and3A_568, %dma_start3A_587, %dma_start3A_588] : memref<2x128x128xf32, #tpu.memory_space<vmem>> -> memref<1x128x128xf32, #tpu.memory_space<vmem>>
      %dma_start3A_590 = tpu.memref_squeeze %dma_start3A_589 : memref<1x128x128xf32, #tpu.memory_space<vmem>> -> memref<128x128xf32, #tpu.memory_space<vmem>>
      %dma_start3A_591 = arith.constant 0 : i32
      %dma_start3A_592 = tpu.memref_slice %arg8[%and3A_568, %dma_start3A_591] : memref<2x128xi32, #tpu.memory_space<vmem>> -> memref<1x128xi32, #tpu.memory_space<vmem>>
      %dma_start3A_593 = tpu.memref_squeeze %dma_start3A_592 : memref<1x128xi32, #tpu.memory_space<vmem>> -> memref<128xi32, #tpu.memory_space<vmem>>
      %dma_start3A_594 = arith.constant 0 : i32
      %dma_start3A_595 = arith.constant 0 : i32
      %dma_start3A_596 = tpu.memref_slice %arg11[%dma_start3A_594, %dma_start3A_595] : memref<10112x128xf32, #tpu.memory_space<vmem_shared>> -> memref<10112x128xf32, #tpu.memory_space<vmem_shared>>
      tpu.enqueue_indirect_dma source(%dma_start3A_590 : memref<128x128xf32, #tpu.memory_space<vmem>>) target(%dma_start3A_596 : memref<10112x128xf32, #tpu.memory_space<vmem_shared>>) offsets(%dma_start3A_593 : memref<128xi32, #tpu.memory_space<vmem>>) semaphore(%arg14 : memref<!tpu.dma_semaphore, #tpu.memory_space<semaphore_mem>>) {add = true}
      %dma_start3A_597 = arith.constant 0 : i32
      %dma_start3A_598 = tpu.memref_slice %arg8[%and3A_568, %dma_start3A_597] : memref<2x128xi32, #tpu.memory_space<vmem>> -> memref<1x128xi32, #tpu.memory_space<vmem>>
      %dma_start3A_599 = tpu.memref_squeeze %dma_start3A_598 : memref<1x128xi32, #tpu.memory_space<vmem>> -> memref<128xi32, #tpu.memory_space<vmem>>
      %dma_start3A_600 = arith.constant 0 : i32
      %dma_start3A_601 = tpu.memref_slice %arg12[%dma_start3A_600] : memref<10240xf32, #tpu.memory_space<vmem_shared>> -> memref<10240xf32, #tpu.memory_space<vmem_shared>>
      tpu.enqueue_indirect_dma source(%arg10 : memref<128xf32, #tpu.memory_space<vmem>>) target(%dma_start3A_601 : memref<10240xf32, #tpu.memory_space<vmem_shared>>) offsets(%dma_start3A_599 : memref<128xi32, #tpu.memory_space<vmem>>) semaphore(%arg15 : memref<!tpu.dma_semaphore, #tpu.memory_space<semaphore_mem>>) {add = true}
    }
    %scan3A_542 = arith.constant 80 : i32
    %dma_wait3A_543 = arith.constant 1 : i32
    %dma_wait3A_544 = arith.constant 1 : i32
    %dma_wait3A_545 = arith.constant 0 : i32
    %dma_wait3A_546 = arith.constant 0 : i32
    %dma_wait3A_547 = tpu.memref_slice %arg9[%dma_wait3A_543, %dma_wait3A_545, %dma_wait3A_546] : memref<2x128x128xf32, #tpu.memory_space<vmem>> -> memref<1x128x128xf32, #tpu.memory_space<vmem>>
    %dma_wait3A_548 = tpu.memref_squeeze %dma_wait3A_547 : memref<1x128x128xf32, #tpu.memory_space<vmem>> -> memref<128x128xf32, #tpu.memory_space<vmem>>
    %dma_wait3A_549 = arith.constant 0 : i32
    %dma_wait3A_550 = tpu.memref_slice %arg8[%dma_wait3A_544, %dma_wait3A_549] : memref<2x128xi32, #tpu.memory_space<vmem>> -> memref<1x128xi32, #tpu.memory_space<vmem>>
    %dma_wait3A_551 = tpu.memref_squeeze %dma_wait3A_550 : memref<1x128xi32, #tpu.memory_space<vmem>> -> memref<128xi32, #tpu.memory_space<vmem>>
    %dma_wait3A_552 = arith.constant 0 : i32
    %dma_wait3A_553 = arith.constant 0 : i32
    %dma_wait3A_554 = tpu.memref_slice %arg11[%dma_wait3A_552, %dma_wait3A_553] : memref<10112x128xf32, #tpu.memory_space<vmem_shared>> -> memref<10112x128xf32, #tpu.memory_space<vmem_shared>>
    tpu.wait_indirect_dma semaphore(%arg14 : memref<!tpu.dma_semaphore, #tpu.memory_space<semaphore_mem>>) src(%dma_wait3A_548 : memref<128x128xf32, #tpu.memory_space<vmem>>) dst(%dma_wait3A_554 : memref<10112x128xf32, #tpu.memory_space<vmem_shared>>)
    %dma_wait3A_555 = arith.constant 1 : i32
    %dma_wait3A_556 = arith.constant 0 : i32
    %dma_wait3A_557 = tpu.memref_slice %arg8[%dma_wait3A_555, %dma_wait3A_556] : memref<2x128xi32, #tpu.memory_space<vmem>> -> memref<1x128xi32, #tpu.memory_space<vmem>>
    %dma_wait3A_558 = tpu.memref_squeeze %dma_wait3A_557 : memref<1x128xi32, #tpu.memory_space<vmem>> -> memref<128xi32, #tpu.memory_space<vmem>>
    %dma_wait3A_559 = arith.constant 0 : i32
    %dma_wait3A_560 = tpu.memref_slice %arg12[%dma_wait3A_559] : memref<10240xf32, #tpu.memory_space<vmem_shared>> -> memref<10240xf32, #tpu.memory_space<vmem_shared>>
    tpu.wait_indirect_dma semaphore(%arg15 : memref<!tpu.dma_semaphore, #tpu.memory_space<semaphore_mem>>) src(%arg10 : memref<128xf32, #tpu.memory_space<vmem>>) dst(%dma_wait3A_560 : memref<10240xf32, #tpu.memory_space<vmem_shared>>)
    %barrier3A_561 = arith.constant 0 : index
    tpu.barrier barrier_id(%barrier3A_561)
    %mul3A_562 = arith.constant 632 : i32
    %mul3A_563 = arith.muli %arg1, %mul3A_562 : i32
    "tpu.region"() ({
      %run_scoped3A = tpu.sem_alloc : memref<!tpu.dma_semaphore, #tpu.memory_space<semaphore_mem>>
      %dma_start3A_566 = arith.constant 0 : i32
      %dma_start3A_567 = tpu.memref_slice %arg4[%arg0, %mul3A_563, %dma_start3A_566] : memref<2x10112x128xf32, #tpu.memory_space<hbm>> -> memref<1x632x128xf32, #tpu.memory_space<hbm>>
      %dma_start3A_568 = tpu.memref_squeeze %dma_start3A_567 : memref<1x632x128xf32, #tpu.memory_space<hbm>> -> memref<632x128xf32, #tpu.memory_space<hbm>>
      %dma_start3A_569 = arith.constant 0 : i32
      %dma_start3A_570 = tpu.memref_slice %arg11[%mul3A_563, %dma_start3A_569] : memref<10112x128xf32, #tpu.memory_space<vmem_shared>> -> memref<632x128xf32, #tpu.memory_space<vmem_shared>>
      tpu.enqueue_dma source(%dma_start3A_570 : memref<632x128xf32, #tpu.memory_space<vmem_shared>>) target(%dma_start3A_568 : memref<632x128xf32, #tpu.memory_space<hbm>>) target_semaphore(%run_scoped3A : memref<!tpu.dma_semaphore, #tpu.memory_space<semaphore_mem>>)
      %dma_wait3A_571 = arith.constant 0 : i32
      %dma_wait3A_572 = tpu.memref_slice %arg4[%arg0, %mul3A_563, %dma_wait3A_571] : memref<2x10112x128xf32, #tpu.memory_space<hbm>> -> memref<1x632x128xf32, #tpu.memory_space<hbm>>
      %dma_wait3A_573 = tpu.memref_squeeze %dma_wait3A_572 : memref<1x632x128xf32, #tpu.memory_space<hbm>> -> memref<632x128xf32, #tpu.memory_space<hbm>>
      %dma_wait3A_574 = arith.constant 0 : i32
      %dma_wait3A_575 = tpu.memref_slice %arg11[%mul3A_563, %dma_wait3A_574] : memref<10112x128xf32, #tpu.memory_space<vmem_shared>> -> memref<632x128xf32, #tpu.memory_space<vmem_shared>>
      tpu.wait_dma2 semaphore(%run_scoped3A : memref<!tpu.dma_semaphore, #tpu.memory_space<semaphore_mem>>) src(%dma_wait3A_575 : memref<632x128xf32, #tpu.memory_space<vmem_shared>>) dst(%dma_wait3A_573 : memref<632x128xf32, #tpu.memory_space<hbm>>)
      tpu.yield
    }) : () -> ()
    %mul3A_564 = arith.constant 640 : i32
    %mul3A_565 = arith.muli %arg1, %mul3A_564 : i32
    "tpu.region"() ({
      %run_scoped3A = tpu.sem_alloc : memref<!tpu.dma_semaphore, #tpu.memory_space<semaphore_mem>>
      %dma_start3A_566 = tpu.memref_slice %arg5[%arg0, %mul3A_565] : memref<2x10240xf32, #tpu.memory_space<hbm>> -> memref<1x640xf32, #tpu.memory_space<hbm>>
      %dma_start3A_567 = tpu.memref_squeeze %dma_start3A_566 : memref<1x640xf32, #tpu.memory_space<hbm>> -> memref<640xf32, #tpu.memory_space<hbm>>
      %dma_start3A_568 = tpu.memref_slice %arg12[%mul3A_565] : memref<10240xf32, #tpu.memory_space<vmem_shared>> -> memref<640xf32, #tpu.memory_space<vmem_shared>>
      tpu.enqueue_dma source(%dma_start3A_568 : memref<640xf32, #tpu.memory_space<vmem_shared>>) target(%dma_start3A_567 : memref<640xf32, #tpu.memory_space<hbm>>) target_semaphore(%run_scoped3A : memref<!tpu.dma_semaphore, #tpu.memory_space<semaphore_mem>>)
      %dma_wait3A_569 = tpu.memref_slice %arg5[%arg0, %mul3A_565] : memref<2x10240xf32, #tpu.memory_space<hbm>> -> memref<1x640xf32, #tpu.memory_space<hbm>>
      %dma_wait3A_570 = tpu.memref_squeeze %dma_wait3A_569 : memref<1x640xf32, #tpu.memory_space<hbm>> -> memref<640xf32, #tpu.memory_space<hbm>>
      %dma_wait3A_571 = tpu.memref_slice %arg12[%mul3A_565] : memref<10240xf32, #tpu.memory_space<vmem_shared>> -> memref<640xf32, #tpu.memory_space<vmem_shared>>
      tpu.wait_dma2 semaphore(%run_scoped3A : memref<!tpu.dma_semaphore, #tpu.memory_space<semaphore_mem>>) src(%dma_wait3A_571 : memref<640xf32, #tpu.memory_space<vmem_shared>>) dst(%dma_wait3A_570 : memref<640xf32, #tpu.memory_space<hbm>>)
      tpu.yield
    }) : () -> ()
    return
  }
}

module attributes {stable_mosaic.version = 14 : i64} {
  func.func @_pack_body(%arg0: i32, %arg1: memref<2x40960xi32, #tpu.memory_space<vmem>>, %arg2: memref<40960xi32, #tpu.memory_space<vmem>>) attributes {dimension_semantics = [#tpu.dimension_semantics<arbitrary>], iteration_bounds = array<i64: 8>, scalar_prefetch = 0 : i64, scratch_operands = 0 : i64, tpu.core_type = #tpu.core_type<tc>, window_params = [{transform_indices = @transform_0, window_bounds = array<i64: 2, 40960>}, {transform_indices = @transform_1, window_bounds = array<i64: 40960>}]} {
    %get3A = arith.constant 1 : index
    %get3A_0 = arith.constant 0 : index
    %get3A_1 = vector.load %arg1[%get3A, %get3A_0] : memref<2x40960xi32, #tpu.memory_space<vmem>>, vector<1x40960xi32>
    %get3A_2 = vector.shape_cast %get3A_1 : vector<1x40960xi32> to vector<40960xi32>
    %shift_left3A = arith.constant 16 : i32
    %shift_left3A_3 = vector.broadcast %shift_left3A : i32 to vector<40960xi32>
    %shift_left3A_4 = arith.shli %get3A_2, %shift_left3A_3 : vector<40960xi32>
    %get3A_5 = arith.constant 0 : index
    %get3A_6 = arith.constant 0 : index
    %get3A_7 = vector.load %arg1[%get3A_5, %get3A_6] : memref<2x40960xi32, #tpu.memory_space<vmem>>, vector<1x40960xi32>
    %get3A_8 = vector.shape_cast %get3A_7 : vector<1x40960xi32> to vector<40960xi32>
    %or3A = arith.ori %shift_left3A_4, %get3A_8 : vector<40960xi32>
    %lt3A = arith.constant 7 : i32
    %lt3A_9 = arith.cmpi slt, %arg0, %lt3A : i32
    %convert_element_type3A = arith.extui %lt3A_9 : i1 to i32
    %cond3A = arith.constant 0 : i32
    %cond3A_10 = arith.cmpi ne, %convert_element_type3A, %cond3A : i32
    scf.if %cond3A_10 {
      %swap3A = arith.constant 0 : index
      %swap3A_15 = vector.load %arg2[%swap3A] : memref<40960xi32, #tpu.memory_space<vmem>>, vector<40960xi32>
      tpu.vector_store %arg2[%swap3A], %or3A {strides = array<i32>} : memref<40960xi32, #tpu.memory_space<vmem>>, vector<40960xi32>,
    } else {
    }
    %ge3A = arith.constant 7 : i32
    %ge3A_11 = arith.cmpi sge, %arg0, %ge3A : i32
    %convert_element_type3A_12 = arith.extui %ge3A_11 : i1 to i32
    %cond3A_13 = arith.constant 0 : i32
    %cond3A_14 = arith.cmpi ne, %convert_element_type3A_12, %cond3A_13 : i32
    scf.if %cond3A_14 {
      %iota3A = tpu.iota {dimensions = array<i32: 1>} : vector<1x40960xi32>
      %iota3A_15 = vector.shape_cast %iota3A : vector<1x40960xi32> to vector<40960xi32>
      %mul3A = arith.constant 40960 : i32
      %mul3A_16 = arith.muli %arg0, %mul3A : i32
      %add3A = vector.broadcast %mul3A_16 : i32 to vector<40960xi32>
      %add3A_17 = arith.addi %iota3A_15, %add3A : vector<40960xi32>
      %and3A = arith.constant 63 : i32
      %and3A_18 = vector.broadcast %and3A : i32 to vector<40960xi32>
      %and3A_19 = arith.andi %add3A_17, %and3A_18 : vector<40960xi32>
      %add3A_20 = arith.constant 10000 : i32
      %add3A_21 = vector.broadcast %add3A_20 : i32 to vector<40960xi32>
      %add3A_22 = arith.addi %add3A_21, %and3A_19 : vector<40960xi32>
      %shift_left3A_23 = arith.constant 16 : i32
      %shift_left3A_24 = vector.broadcast %shift_left3A_23 : i32 to vector<40960xi32>
      %shift_left3A_25 = arith.shli %add3A_22, %shift_left3A_24 : vector<40960xi32>
      %and3A_26 = arith.constant 8191 : i32
      %and3A_27 = vector.broadcast %and3A_26 : i32 to vector<40960xi32>
      %and3A_28 = arith.andi %add3A_17, %and3A_27 : vector<40960xi32>
      %or3A_29 = arith.ori %shift_left3A_25, %and3A_28 : vector<40960xi32>
      %lt3A_30 = arith.constant 320000 : i32
      %lt3A_31 = vector.broadcast %lt3A_30 : i32 to vector<40960xi32>
      %lt3A_32 = arith.cmpi slt, %add3A_17, %lt3A_31 : vector<40960xi32>
      %select_n3A = arith.select %lt3A_32, %or3A, %or3A_29 : vector<40960xi1>, vector<40960xi32>
      %swap3A = arith.constant 0 : index
      %swap3A_33 = vector.load %arg2[%swap3A] : memref<40960xi32, #tpu.memory_space<vmem>>, vector<40960xi32>
      tpu.vector_store %arg2[%swap3A], %select_n3A {strides = array<i32>} : memref<40960xi32, #tpu.memory_space<vmem>>, vector<40960xi32>,
    } else {
    }
    return
  }
  func.func @transform_0(%arg0: i32) -> (i32, i32) {
    %c0_i32 = arith.constant 0 : i32
    %c0_i32_0 = arith.constant 0 : i32
    return %c0_i32, %arg0 : i32, i32
  }
  func.func @transform_1(%arg0: i32) -> i32 {
    %c0_i32 = arith.constant 0 : i32
    return %arg0 : i32
  }
}

module attributes {stable_mosaic.version = 14 : i64} {
  func.func @_dense_body(%arg0: i32, %arg1: memref<2560x128xf32, #tpu.memory_space<vmem>>, %arg2: memref<2x2560x128xf32, #tpu.memory_space<vmem>>, %arg3: memref<2x2560xf32, #tpu.memory_space<vmem>>, %arg4: memref<256x128xf32, #tpu.memory_space<vmem>>, %arg5: memref<1x128xf32, #tpu.memory_space<vmem>>, %arg6: memref<128x128xf32, #tpu.memory_space<vmem>>, %arg7: memref<1x128xf32, #tpu.memory_space<vmem>>, %arg8: memref<128x64xf32, #tpu.memory_space<vmem>>, %arg9: memref<1x64xf32, #tpu.memory_space<vmem>>, %arg10: memref<64x2560xf32, #tpu.memory_space<vmem>>) attributes {dimension_semantics = [#tpu.dimension_semantics<arbitrary>], iteration_bounds = array<i64: 4>, scalar_prefetch = 0 : i64, scratch_operands = 0 : i64, tpu.core_type = #tpu.core_type<tc>, window_params = [{transform_indices = @transform_0, window_bounds = array<i64: 2560, 128>}, {transform_indices = @transform_1, window_bounds = array<i64: 2, 2560, 128>}, {transform_indices = @transform_2, window_bounds = array<i64: 2, 2560>}, {pipeline_mode = #tpu.pipeline_mode<synchronous>, transform_indices = @transform_3, window_bounds = array<i64: 256, 128>}, {pipeline_mode = #tpu.pipeline_mode<synchronous>, transform_indices = @transform_4, window_bounds = array<i64: 1, 128>}, {pipeline_mode = #tpu.pipeline_mode<synchronous>, transform_indices = @transform_5, window_bounds = array<i64: 128, 128>}, {pipeline_mode = #tpu.pipeline_mode<synchronous>, transform_indices = @transform_6, window_bounds = array<i64: 1, 128>}, {pipeline_mode = #tpu.pipeline_mode<synchronous>, transform_indices = @transform_7, window_bounds = array<i64: 128, 64>}, {pipeline_mode = #tpu.pipeline_mode<synchronous>, transform_indices = @transform_8, window_bounds = array<i64: 1, 64>}, {transform_indices = @transform_9, window_bounds = array<i64: 64, 2560>}]} {
    %get3A = arith.constant 0 : index
    %get3A_0 = arith.constant 0 : index
    %get3A_1 = arith.constant 0 : index
    %get3A_2 = vector.load %arg2[%get3A, %get3A_0, %get3A_1] : memref<2x2560x128xf32, #tpu.memory_space<vmem>>, vector<1x2560x128xf32>
    %get3A_3 = vector.shape_cast %get3A_2 : vector<1x2560x128xf32> to vector<2560x128xf32>
    %get3A_4 = arith.constant 1 : index
    %get3A_5 = arith.constant 0 : index
    %get3A_6 = arith.constant 0 : index
    %get3A_7 = vector.load %arg2[%get3A_4, %get3A_5, %get3A_6] : memref<2x2560x128xf32, #tpu.memory_space<vmem>>, vector<1x2560x128xf32>
    %get3A_8 = vector.shape_cast %get3A_7 : vector<1x2560x128xf32> to vector<2560x128xf32>
    %add3A = arith.addf %get3A_3, %get3A_8 : vector<2560x128xf32>
    %get3A_9 = arith.constant 0 : index
    %get3A_10 = arith.constant 0 : index
    %get3A_11 = vector.load %arg3[%get3A_9, %get3A_10] : memref<2x2560xf32, #tpu.memory_space<vmem>>, vector<1x2560xf32>
    %get3A_12 = vector.shape_cast %get3A_11 : vector<1x2560xf32> to vector<2560xf32>
    %get3A_13 = arith.constant 1 : index
    %get3A_14 = arith.constant 0 : index
    %get3A_15 = vector.load %arg3[%get3A_13, %get3A_14] : memref<2x2560xf32, #tpu.memory_space<vmem>>, vector<1x2560xf32>
    %get3A_16 = vector.shape_cast %get3A_15 : vector<1x2560xf32> to vector<2560xf32>
    %add3A_17 = arith.addf %get3A_12, %get3A_16 : vector<2560xf32>
    %reshape3A = vector.shape_cast %add3A_17 : vector<2560xf32> to vector<2560x1xf32>
    %max3A = arith.constant 1.000000e+00 : f32
    %max3A_18 = vector.broadcast %max3A : f32 to vector<2560x1xf32>
    %max3A_19 = arith.maximumf %reshape3A, %max3A_18 : vector<2560x1xf32>
    %div3A = vector.broadcast %max3A_19 : vector<2560x1xf32> to vector<2560x128xf32>
    %div3A_20 = arith.divf %add3A, %div3A : vector<2560x128xf32>
    %get3A_21 = arith.constant 0 : index
    %get3A_22 = arith.constant 0 : index
    %get3A_23 = vector.load %arg4[%get3A_21, %get3A_22] : memref<256x128xf32, #tpu.memory_space<vmem>>, vector<256x128xf32>
    %get3A_24 = arith.constant 0 : index
    %get3A_25 = arith.constant 0 : index
    %get3A_26 = vector.load %arg1[%get3A_24, %get3A_25] : memref<2560x128xf32, #tpu.memory_space<vmem>>, vector<2560x128xf32>
    %slice3A = vector.extract_strided_slice %get3A_23 {offsets = [0, 0], sizes = [128, 128], strides = [1, 1]} : vector<256x128xf32> to vector<128x128xf32>
    %dot_general3A = arith.constant dense<0.000000e+00> : vector<2560x128xf32>
    %dot_general3A_27 = tpu.matmul %get3A_26, %slice3A, %dot_general3A {dimension_numbers = #tpu.dot_dimension_numbers<[1], [0], [0], [1], [0, 0, 1, 1], [], []>, transpose_lhs_hint = false} : vector<2560x128xf32>, vector<128x128xf32>, vector<2560x128xf32> -> vector<2560x128xf32>
    %slice3A_28 = vector.extract_strided_slice %get3A_23 {offsets = [128, 0], sizes = [128, 128], strides = [1, 1]} : vector<256x128xf32> to vector<128x128xf32>
    %dot_general3A_29 = arith.constant dense<0.000000e+00> : vector<2560x128xf32>
    %dot_general3A_30 = tpu.matmul %div3A_20, %slice3A_28, %dot_general3A_29 {dimension_numbers = #tpu.dot_dimension_numbers<[1], [0], [0], [1], [0, 0, 1, 1], [], []>, transpose_lhs_hint = false} : vector<2560x128xf32>, vector<128x128xf32>, vector<2560x128xf32> -> vector<2560x128xf32>
    %add3A_31 = arith.addf %dot_general3A_27, %dot_general3A_30 : vector<2560x128xf32>
    %get3A_32 = arith.constant 0 : index
    %get3A_33 = arith.constant 0 : index
    %get3A_34 = vector.load %arg5[%get3A_32, %get3A_33] : memref<1x128xf32, #tpu.memory_space<vmem>>, vector<1x128xf32>
    %add3A_35 = vector.broadcast %get3A_34 : vector<1x128xf32> to vector<2560x128xf32>
    %add3A_36 = arith.addf %add3A_31, %add3A_35 : vector<2560x128xf32>
    %max3A_37 = arith.constant 0.000000e+00 : f32
    %max3A_38 = vector.broadcast %max3A_37 : f32 to vector<2560x128xf32>
    %max3A_39 = arith.maximumf %add3A_36, %max3A_38 : vector<2560x128xf32>
    %get3A_40 = arith.constant 0 : index
    %get3A_41 = arith.constant 0 : index
    %get3A_42 = vector.load %arg6[%get3A_40, %get3A_41] : memref<128x128xf32, #tpu.memory_space<vmem>>, vector<128x128xf32>
    %dot_general3A_43 = arith.constant dense<0.000000e+00> : vector<2560x128xf32>
    %dot_general3A_44 = tpu.matmul %max3A_39, %get3A_42, %dot_general3A_43 {dimension_numbers = #tpu.dot_dimension_numbers<[1], [0], [0], [1], [0, 0, 1, 1], [], []>, transpose_lhs_hint = false} : vector<2560x128xf32>, vector<128x128xf32>, vector<2560x128xf32> -> vector<2560x128xf32>
    %get3A_45 = arith.constant 0 : index
    %get3A_46 = arith.constant 0 : index
    %get3A_47 = vector.load %arg7[%get3A_45, %get3A_46] : memref<1x128xf32, #tpu.memory_space<vmem>>, vector<1x128xf32>
    %add3A_48 = vector.broadcast %get3A_47 : vector<1x128xf32> to vector<2560x128xf32>
    %add3A_49 = arith.addf %dot_general3A_44, %add3A_48 : vector<2560x128xf32>
    %max3A_50 = arith.constant 0.000000e+00 : f32
    %max3A_51 = vector.broadcast %max3A_50 : f32 to vector<2560x128xf32>
    %max3A_52 = arith.maximumf %add3A_49, %max3A_51 : vector<2560x128xf32>
    %get3A_53 = arith.constant 0 : index
    %get3A_54 = arith.constant 0 : index
    %get3A_55 = vector.load %arg8[%get3A_53, %get3A_54] : memref<128x64xf32, #tpu.memory_space<vmem>>, vector<128x64xf32>
    %dot_general3A_56 = arith.constant dense<0.000000e+00> : vector<2560x64xf32>
    %dot_general3A_57 = tpu.matmul %max3A_52, %get3A_55, %dot_general3A_56 {dimension_numbers = #tpu.dot_dimension_numbers<[1], [0], [0], [1], [0, 0, 1, 1], [], []>, transpose_lhs_hint = false} : vector<2560x128xf32>, vector<128x64xf32>, vector<2560x64xf32> -> vector<2560x64xf32>
    %get3A_58 = arith.constant 0 : index
    %get3A_59 = arith.constant 0 : index
    %get3A_60 = vector.load %arg9[%get3A_58, %get3A_59] : memref<1x64xf32, #tpu.memory_space<vmem>>, vector<1x64xf32>
    %add3A_61 = vector.broadcast %get3A_60 : vector<1x64xf32> to vector<2560x64xf32>
    %add3A_62 = arith.addf %dot_general3A_57, %add3A_61 : vector<2560x64xf32>
    %transpose3A = tpu.transpose %add3A_62, [1, 0] : vector<2560x64xf32> -> vector<64x2560xf32>
    %swap3A = arith.constant 0 : index
    %swap3A_63 = arith.constant 0 : index
    %swap3A_64 = vector.load %arg10[%swap3A, %swap3A_63] : memref<64x2560xf32, #tpu.memory_space<vmem>>, vector<64x2560xf32>
    tpu.vector_store %arg10[%swap3A, %swap3A_63], %transpose3A {strides = array<i32>} : memref<64x2560xf32, #tpu.memory_space<vmem>>, vector<64x2560xf32>,
    return
  }
  func.func @transform_0(%arg0: i32) -> (i32, i32) {
    %c0_i32 = arith.constant 0 : i32
    %c0_i32_0 = arith.constant 0 : i32
    return %arg0, %c0_i32 : i32, i32
  }
  func.func @transform_1(%arg0: i32) -> (i32, i32, i32) {
    %c0_i32 = arith.constant 0 : i32
    %c0_i32_0 = arith.constant 0 : i32
    %c0_i32_1 = arith.constant 0 : i32
    return %c0_i32, %arg0, %c0_i32_0 : i32, i32, i32
  }
  func.func @transform_2(%arg0: i32) -> (i32, i32) {
    %c0_i32 = arith.constant 0 : i32
    %c0_i32_0 = arith.constant 0 : i32
    return %c0_i32, %arg0 : i32, i32
  }
  func.func @transform_3(%arg0: i32) -> (i32, i32) {
    %c0_i32 = arith.constant 0 : i32
    %c0_i32_0 = arith.constant 0 : i32
    %c0_i32_1 = arith.constant 0 : i32
    return %c0_i32, %c0_i32_0 : i32, i32
  }
  func.func @transform_4(%arg0: i32) -> (i32, i32) {
    %c0_i32 = arith.constant 0 : i32
    %c0_i32_0 = arith.constant 0 : i32
    %c0_i32_1 = arith.constant 0 : i32
    return %c0_i32, %c0_i32_0 : i32, i32
  }
  func.func @transform_5(%arg0: i32) -> (i32, i32) {
    %c0_i32 = arith.constant 0 : i32
    %c0_i32_0 = arith.constant 0 : i32
    %c0_i32_1 = arith.constant 0 : i32
    return %c0_i32, %c0_i32_0 : i32, i32
  }
  func.func @transform_6(%arg0: i32) -> (i32, i32) {
    %c0_i32 = arith.constant 0 : i32
    %c0_i32_0 = arith.constant 0 : i32
    %c0_i32_1 = arith.constant 0 : i32
    return %c0_i32, %c0_i32_0 : i32, i32
  }
  func.func @transform_7(%arg0: i32) -> (i32, i32) {
    %c0_i32 = arith.constant 0 : i32
    %c0_i32_0 = arith.constant 0 : i32
    %c0_i32_1 = arith.constant 0 : i32
    return %c0_i32, %c0_i32_0 : i32, i32
  }
  func.func @transform_8(%arg0: i32) -> (i32, i32) {
    %c0_i32 = arith.constant 0 : i32
    %c0_i32_0 = arith.constant 0 : i32
    %c0_i32_1 = arith.constant 0 : i32
    return %c0_i32, %c0_i32_0 : i32, i32
  }
  func.func @transform_9(%arg0: i32) -> (i32, i32) {
    %c0_i32 = arith.constant 0 : i32
    %c0_i32_0 = arith.constant 0 : i32
    return %c0_i32, %arg0 : i32, i32
  }
}

</mosaic_0001>

<sc_bundles>
// kernel: kernel.5.cloned.1.call-start
scs
__scs_entry_jumppad:
0x0: {  	(pc) =	sbr.rel $0x88, $3  }
0x1: {  	(tag) =	ssettag $0x0;
	lr =	simm.s32 $0x1  }
0x2: {  	[smem:$0x3F99] =	sst lr;
	_ =	strace $0xD0000000  }
0x3: {  	_ = 	snop  }
0x4: {  	_ = 	snop  }
0x5: {  	_ = 	snop  }
0x6: {  	_ = 	snop  }
0x7: {  	_ = 	snop  }
__scs_overlays_trampoline_lowered:
0x8: {  	[smem:$0x3FA8] =	sst s0  }
0x9: {  	[smem:$0x3FA9] =	sst s1  }
0xa: {  	[smem:$0x3FAA] =	sst s2  }
0xb: {  	[smem:$0x3FAB] =	sst s3  }
0xc: {  	[smem:$0x3FAC] =	sst s4  }
0xd: {  	[smem:$0x3FAD] =	sst s5  }
0xe: {  	[smem:$0x3FAE] =	sst s6  }
0xf: {  	[smem:$0x3FAF] =	sst s7  }
0x10: {  	[smem:$0x3FB0] =	sst s8  }
0x11: {  	[smem:$0x3FB1] =	sst s9;
	s0 =	simm.s32 @!p0 $0x0  }
0x12: {  	s1 =	sld [smem:$0x3F97];
	s0 =	simm.s32 @p0 $0x1  }
0x13: {  	[smem:$0x3FB2] =	sst s0;
	s0 =	simm.s32 @!p1 $0x0  }
0x14: {  	s2 =	sld [smem:$0x3F96];
	s0 =	simm.s32 @p1 $0x1  }
0x15: {  	[smem:$0x3FB3] =	sst s0;
	s0 =	simm.s32 @!p2 $0x0  }
0x16: {  	s3 =	sld [smem:$0x3FDB];
	s0 =	simm.s32 @p2 $0x1  }
0x17: {  	s4 =	simm.s32 $0x1BF5;
	[smem:$0x3FB5] =	sst s0  }
0x18: {  	s0 =	sld [smem:$0x3F98];
	_ =	swait.ge [sflag:s4], $0x0  }
0x19: {  	s7 =	sld [smem:$0x3F99]  }
0x1a: {  	s8 =	sadd.s32 $0xFFFFE003, lr  }
0x1b: {  	s9 =	sadd.s32 $0xFFFFFEF7, lr;
	s5 =	simm.s32 $0xFFFFFFFF;
	p2 =	slt.u32 s8, $0xFFFFF086  }
0x1c: {  	p1 =	slt.u32 s9, $0xF7A;
	s5 =	simm.s32 @!p2 $0x0  }
0x1d: {  	s5 =	simm.s32 @p1 $0x1;
	p0 =	seq.s32 s7, s2  }
0x1e: {  	s7 =	smul.u32 @!p0 $0xF7A, s2;
	p2 =	seq.s32 @!p0 s5, $0x0  }
0x1f: {  	s9 =	smul.u32 $0xF7A, s1;
	s8 =	simm.s32 @!p0 $0x1BF5;
	p2 =	por !p2, p0  }
0x20: {  	[sflag:s8] =	ssyncset.s32 @!p0 $0xFFFFF086;
	s6 =	sadd.s32 @!p0 s3, s7;
	s7 =	simm.s32 @!p0 $0x108  }
0x21: {  	s3 =	sadd.s32 s3, s9;
	s6 =	sadd.s32 @!p0 $0x88, s6;
	s7 =	simm.s32 @p2 $0x1082  }
0x22: {  	[simem:s7], [sflag:s8] =	dma.local @!p0 [hbm:s6], $0xF7A  }
0x23: {  	s9 =	sor.u32 $0xD0000000, s2;
	s6 =	simm.s32 $0x108;
	_ =	swait.ge @!p0 [sflag:s8], $0x0  }
0x24: {  	s3 =	sadd.s32 $0x88, s3;
	s6 =	simm.s32 @!p1 $0x1082;
	[sflag:s4] =	ssyncset.s32 $0xFFFFF086  }
0x25: {  	[simem:s6], [sflag:s4] =	dma.local [hbm:s3], $0xF7A  }
0x26: {  	[smem:$0x3F99] =	sst s1;
	(tag) =	ssettag s2;
	_ =	strace s9  }
0x27: {  	s1 =	sld [smem:$0x3FA9]  }
0x28: {  	s2 =	sld [smem:$0x3FAA]  }
0x29: {  	s4 =	sld [smem:$0x3FAC]  }
0x2a: {  	p0 =	seq.s32 s5, $0x0;
	s5 =	sld [smem:$0x3FAD]  }
0x2b: {  	s6 =	sld [smem:$0x3FAE]  }
0x2c: {  	s7 =	sld [smem:$0x3FAF]  }
0x2d: {  	s3 =	simm.s32 $0x108;
	s8 =	sld [smem:$0x3FB0]  }
0x2e: {  	s3 =	simm.s32 @!p0 $0x1082;
	s9 =	sld [smem:$0x3FB1]  }
0x2f: {  	lr =	sadd.s32 s0, s3;
	s0 =	sld [smem:$0x3FA8]  }
0x30: {  	s3 =	sld [smem:$0x3FAB]  }
0x31: {  	[smem:$0x3FB4] =	sst s10  }
0x32: {  	s10 =	sld [smem:$0x3FB2];
	_ =	sdelay $0x3  }
0x33: {  	p0 =	seq.s32 s10, $0x1;
	s10 =	sld [smem:$0x3FB4];
	_ =	sdelay $0x3  }
0x34: {  	[smem:$0x3FB4] =	sst s10  }
0x35: {  	s10 =	sld [smem:$0x3FB3];
	_ =	sdelay $0x3  }
0x36: {  	p1 =	seq.s32 s10, $0x1;
	s10 =	sld [smem:$0x3FB4];
	_ =	sdelay $0x3  }
0x37: {  	[smem:$0x3FB4] =	sst s10  }
0x38: {  	s10 =	sld [smem:$0x3FB5]  }
0x39: {  	_ = 	snop;
	(pc) =	sbr.ind lr, $3  }
0x3a: {  	_ = 	snop  }
0x3b: {  	_ = 	snop  }
0x3c: {  	p2 =	seq.s32 s10, $0x1;
	s10 =	sld [smem:$0x3FB4]  }
0x3d: {  	_ =	shalt  }
0x3e: {  	_ =	shalt  }
0x3f: {  	_ =	shalt  }
0x40: {  	_ =	shalt  }
0x41: {  	_ =	shalt  }
0x42: {  	_ =	shalt  }
0x43: {  	_ =	shalt  }
0x44: {  	_ =	shalt  }
0x45: {  	_ =	shalt  }
0x46: {  	_ =	shalt  }
0x47: {  	_ =	shalt  }
0x48: {  	_ =	shalt  }
0x49: {  	_ =	shalt  }
0x4a: {  	_ =	shalt  }
0x4b: {  	_ =	shalt  }
0x4c: {  	_ =	shalt  }
0x4d: {  	_ =	shalt  }
0x4e: {  	_ =	shalt  }
0x4f: {  	_ =	shalt  }
0x50: {  	_ =	shalt  }
0x51: {  	_ =	shalt  }
0x52: {  	_ =	shalt  }
0x53: {  	_ =	shalt  }
0x54: {  	_ =	shalt  }
0x55: {  	_ =	shalt  }
0x56: {  	_ =	shalt  }
0x57: {  	_ =	shalt  }
0x58: {  	_ =	shalt  }
0x59: {  	_ =	shalt  }
0x5a: {  	_ =	shalt  }
0x5b: {  	_ =	shalt  }
0x5c: {  	_ =	shalt  }
0x5d: {  	_ =	shalt  }
0x5e: {  	_ =	shalt  }
0x5f: {  	_ =	shalt  }
0x60: {  	_ =	shalt  }
0x61: {  	_ =	shalt  }
0x62: {  	_ =	shalt  }
0x63: {  	_ =	shalt  }
0x64: {  	_ =	shalt  }
0x65: {  	_ =	shalt  }
0x66: {  	_ =	shalt  }
0x67: {  	_ =	shalt  }
0x68: {  	_ =	shalt  }
0x69: {  	_ =	shalt  }
0x6a: {  	_ =	shalt  }
0x6b: {  	_ =	shalt  }
0x6c: {  	_ =	shalt  }
0x6d: {  	_ =	shalt  }
0x6e: {  	_ =	shalt  }
0x6f: {  	_ =	shalt  }
0x70: {  	_ =	shalt  }
0x71: {  	_ =	shalt  }
0x72: {  	_ =	shalt  }
0x73: {  	_ =	shalt  }
0x74: {  	_ =	shalt  }
0x75: {  	_ =	shalt  }
0x76: {  	_ =	shalt  }
0x77: {  	_ =	shalt  }
0x78: {  	_ =	shalt  }
0x79: {  	_ =	shalt  }
0x7a: {  	_ =	shalt  }
0x7b: {  	_ =	shalt  }
0x7c: {  	_ =	shalt  }
0x7d: {  	_ =	shalt  }
0x7e: {  	_ =	shalt  }
0x7f: {  	_ =	shalt  }
0x80: {  	_ =	shalt  }
0x81: {  	_ =	shalt  }
0x82: {  	_ =	shalt  }
0x83: {  	_ =	shalt  }
0x84: {  	_ =	shalt  }
0x85: {  	_ =	shalt  }
0x86: {  	_ =	shalt  }
0x87: {  	_ =	shalt  }
.Lfunc_end0:
.L_simem_size_0:
called_computation_lowered:
.L_overlay_start_0:
0x88: {  	s2 =	sld [smem:$0x3FD9]  }
0x89: {  	s3 =	sld [smem:$0x3FFE];
	_ =	sdelay $0x1  }
0x8a: {  	s1 =	srdreg.scid  }
0x8b: {  	s0 =	sand.u32 $0x1, s1  }
0x8c: {  	s17 =	sshll.u32 s0, $0xA;
	s2 =	sadd.s32 s3, s2  }
0x8d: {  	s2 =	sadd.s32 s2, s17  }
0x8e: {  	[smem:$0x3FC0] =	sst s2  }
0x8f: {  	_ = 	snop  }
0x90: {  	s2 =	sld [smem:$0x3FC9]  }
0x91: {  	s18 =	sld [smem:$0x3FD0];
	(tm) =	ssettm $0x1  }
0x92: {  	s4 =	sld [smem:$0x3FFB];
	_ =	sdelay $0x3  }
0x93: {  	_ =	strace s4  }
0x94: {  	s4 =	sld [smem:$0x3FFC];
	_ =	sdelay $0x3  }
0x95: {  	_ =	strace s4  }
0x96: {  	s4 =	sld [smem:$0x3FFD];
	_ =	sdelay $0x3  }
0x97: {  	_ =	strace s4  }
0x98: {  	_ =	strace $0x8FFFFFFF  }
0x99: {  	s19 =	sld [smem:$0x3FDB];
	_ =	sdelay $0x1  }
0x9a: {  	s5 =	simm.s32 $_scs_section_size  }
0x9b: {  	s6 =	simm.s32 $_size__tile_overlayer_lowered;
	s7 =	simm.s32 $_tile_overlayer_lowered  }
0x9c: {  	s22 =	simm.s32 $0x1BFF;
	s21 =	sshll.u32 s7, $0x1;
	s4 =	sadd.s32 s5, s19  }
0x9d: {  	s8 =	simm.s32 $0x0;
	s20 =	sshll.u32 s6, $0x1;
	s6 =	sadd.s32 s21, s4  }
0x9e: {  	[timem:s8], [sflag:s22] =	dma.local [hbm:s6], s20  }
0x9f: {  	_ =	swait.ge [sflag:s22], s20  }
0xa0: {  	s5 =	ssub.s32 $0x0, s20;
	[sflag:s22] =	ssyncset.done $0x0  }
0xa1: {  	[sflag:s22] =	ssyncadd.s32 s5;
	_ =	sdelay $0x1  }
0xa2: {  	s23 =	simm.s32 $0x1B8B  }
0xa3: {  	_ =	swait.ge [sflag:s23], $0x1  }
0xa4: {  	[sflag:s23] =	ssyncset.done $0x0  }
0xa5: {  	s25 =	simm.s32 $0x1B8E;
	s24 =	sld [smem:$0x3FFE];
	[sflag:s23] =	ssyncadd.s32 $0xFFFFFFFF  }
0xa6: {  	s26 =	simm.s32 $execute0_lowered;
	[smem:$0x3FD2] =	sst s25  }
0xa7: {  	s6 =	sshll.u32 s26, $0x1;
	_ =	strace $0x80000046;
	[dreg:$0x1] =	wrdreg $0xFFFFFFFF  }
0xa8: {  	s28 =	simm.s32 $_size_execute0_lowered;
	s4 =	sadd.s32 s4, s6;
	[dreg:$0x0] =	wrdreg $0x0  }
0xa9: {  	s6 =	sshll.u32 s28, $0x1;
	[dreg:$0x2] =	wrdreg s4  }
0xaa: {  	[dreg:$0x3] =	wrdreg s6  }
0xab: {  	[dreg:$0x4] =	wrdreg $0xC0  }
0xac: {  	_ =	task [dreg:s8], $0x5FFFF  }
0xad: {  	[dreg:$0x1] =	wrdreg $0xFFFFFFFF  }
0xae: {  	[dreg:$0x0] =	wrdreg $0x60  }
0xaf: {  	[dreg:$0x2] =	wrdreg s2  }
0xb0: {  	[dreg:$0x3] =	wrdreg s18  }
0xb1: {  	[dreg:$0x4] =	wrdreg s24  }
0xb2: {  	[dreg:$0x5] =	wrdreg $0xAA800  }
0xb3: {  	[dreg:$0x6] =	wrdreg $0x1E6800  }
0xb4: {  	[dreg:$0x7] =	wrdreg $0x9  }
0xb5: {  	_ =	task.clear_ibuf [dreg:s8], $0x8FFFF;
	_ =	strace $0x90000046  }
0xb6: {  	s29 =	simm.s32 $0x9;
	_ =	strace $0x80000048  }
0xb7: {  	_ =	swait.ge [sflag:s29], $0x1  }
0xb8: {  	[sflag:s29] =	ssyncadd.s32 $0xFFFFFFFF  }
0xb9: {  	_ =	strace $0x90000048  }
0xba: {  	_ =	sfence  }
0xbb: {  	s30 =	sld [smem:$0x0];
	_ =	sdelay $0x2  }
0xbc: {  	s31 =	sshll.u32 s1, $0xD;
	s1 =	sshrl.u32 s1, $0x2  }
0xbd: {  	s3 =	sand.u32 $0x4000, s31;
	s1 =	sadd.s32 s1, s30  }
0xbe: {  	s0 =	sor.u32 s3, s0;
	s1 =	sshll.u32 s1, $0x11  }
0xbf: {  	s0 =	sor.u32 s1, s0  }
0xc0: {  	s0 =	sadd.s32 $0x8F2B, s0  }
0xc1: {  	[sflag:s0] =	ssyncadd.remote.s32 $0x1  }
0xc2: {  	_ =	sfence.sel $0xFFFF  }
0xc3: {  	[dreg:$0x0] =	wrdreg $0xFFFFFFFF;
	(pc) =	sbr.abs _section_cstart, $3  }
0xc4: {  	[dreg:$0x1] =	wrdreg $0xFFFFFFFF  }
0xc5: {  	_ =	task.clear_ibuf [dreg:s8], $0x2FFFF;
	_ =	strace $0x9FFFFFFF  }
0xc6: {  	(tm) =	ssettm $0x7FFFFFFF  }
0xc7: {  	_ =	shalt  }
tec
execute0_lowered:
.L_overlay_start_1:
0x0: {  	(tag) =	ssettag $0x1  }
0x1: {  	s0 =	rddreg [dreg:$0x0]  }
0x2: {  	s1 =	rddreg [dreg:$0x1]  }
0x3: {  	s2 =	rddreg [dreg:$0x2]  }
0x4: {  	s4 =	srdreg.scid;
	s9 =	stileid.u32  }
0x5: {  	s3 =	rddreg [dreg:$0x3];
	s7 =	smul.u32 $0x13C00, s9  }
0x6: {  	s8 =	simm.s32 $0x0;
	s28 =	simm.s32 $0x4;
	s20 =	smul.u32 $0x500, s9  }
0x7: {  	s30 =	simm.s32 $0x10;
	s31 =	simm.s32 $0x0;
	s24 =	smul.u32 $0x4F000, s9  }
0x8: {  	s5 =	sand.u32 $0x1, s4;
	[smem:$0x7FF] =	sst s8;
	s10 =	smul.u32 $0xA00, s9  }
0x9: {  	s4 =	rddreg [dreg:$0x4];
	s6 =	smul.u32 $0x13C000, s5;
	_ =	strace $0x80000047  }
0xa: {  	s21 =	sshll.u32 s5, $0x7;
	s23 =	sshll.u32 s5, $0x4;
	s5 =	ssub.s32 $0x2, s5  }
0xb: {  	s22 =	sor.u32 s21, s20;
	s26 =	sshrl.u32 s5, $0x1;
	s8 =	sshrl.u32 s24, $0x2  }
0xc: {  	s29 =	sshrl.u32 s10, $0x2;
	s20 =	simm.s32 $0x2A00;
	s21 =	simm.s32 $0x2  }
0xd: {  	s24 =	simm.s32 $0x80;
	s6 =	sadd.s32 s7, s6;
	s7 =	sor.u32 s9, s23  }
0xe: {  	s5 =	ssub.s32 s5, s26;
	s12 =	sadd.s32 s29, s4;
	s23 =	simm.s32 $0x1  }
0xf: {  	s26 =	simm.s32 $0xAA00;
	s6 =	sshrl.u32 s6, $0x3;
	s25 =	smul.u32 $0x500, s7  }
0x10: {  	s7 =	sadd.s32 s8, s3;
	s13 =	sadd.s32 $0x80, s12;
	s14 =	sadd.s32 $0x100, s12  }
.Ltmp0:
0x11: {  	s15 =	sadd.s32 $0x180, s12;
	s16 =	sadd.s32 $0x200, s12;
	(pc) =	sbr.rel .LBB2_1-.Ltmp0, $4  }
0x12: {  	s19 =	smax.u32 s5, $0x1;
	s17 =	sadd.s32 s6, s2;
	s6 =	sshrl.u32 s22, $0x3  }
0x13: {  	s8 =	sadd.s32 $0x4000, s7;
	s9 =	sadd.s32 $0x8000, s7;
	s10 =	sadd.s32 $0xC000, s7  }
0x14: {  	s11 =	sadd.s32 $0xFC00, s7;
	s22 =	simm.s32 $0x3;
	s2 =	sadd.s32 s6, s2  }
0x15: {  	v0 =	vimm.f32 $1.000000000e+00;
	v1 =	vimm.f32 $0.0e+00;
	s6 =	sadd.s32 s1, s25;
	s17 =	sadd.s32 $0x2400, s17;
	s18 =	sadd.s32 $0x51400, s2  }
.LBB2_7:
0x16: {  	_ =	swait.ge [sflag:s21], $0x4000  }
0x17: {  	[sflag:s21] =	ssyncset.done $0x0  }
0x18: {  	[sflag:s21] =	ssyncadd.s32 $0xFFFFC000  }
0x19: {  	_ =	swait.ge [sflag:s22], $0x80  }
0x1a: {  	s1 =	stileid.u32;
	[sflag:s22] =	ssyncset.done $0x0  }
0x1b: {  	s1 =	sshll.u32 s1, $0x6;
	[sflag:s22] =	ssyncadd.s32 $0xFFFFFF80  }
0x1c: {  	s2 =	sshrl.u32 s7, $0x3;
	s1 =	sor.u32 $0x1C04, s1;
	[bflag:$0x0] =	sbarrier.arrive $0xFFFF  }
0x1d: {  	[hbm:s17], [sflag:s1] =	dma.local [spmem:s2], $0x2780  }
0x1e: {  	s31 =	sadd.s32 $0x1, s31;
	_ =	swait.ge [sflag:s28], $0x2780  }
0x1f: {  	s29 =	sshrl.u32 s12, $0x3;
	p0 =	sne.s32 s31, s19;
	[sflag:s28] =	ssyncset.done $0x0  }
.Ltmp1:
0x20: {  	s5 =	simm.s32 $0x20;
	[sflag:s28] =	ssyncadd.s32 $0xFFFFD880;
	(pc) =	sbr.rel @!p0 .LBB2_8-.Ltmp1, $4  }
0x21: {  	[hbm:s18@s5], [sflag:s1] =	dma.strided [spmem:s29@s30], $0x50, s23, $0x10   }
0x22: {  	_ =	swait.ge [sflag:s28], $0x50  }
0x23: {  	[sflag:s28] =	ssyncset.done $0x0  }
0x24: {  	[sflag:s28] =	ssyncadd.s32 $0xFFFFFFB0  }
.LBB2_1:
0x25: {  	s1 =	simm.s32 $0x0  }
0x26: {  	[tilespmem:s1], [sflag:$0x1] =	stream.linear.gather [hbm4b:s6+s1], $0x2800, $0x38;
	[tilespmem:$0x1E900] =	vst v63  }
0x27: {  	[tilespmem:$0xAA00] =	vst v0  }
0x28: {  	[tilespmem:$0xAA10] =	vst v0  }
0x29: {  	[tilespmem:$0xAA20] =	vst v0  }
0x2a: {  	[tilespmem:$0xAA30] =	vst v0  }
0x2b: {  	[tilespmem:$0xAA40] =	vst v0  }
0x2c: {  	[tilespmem:$0xAA50] =	vst v0  }
0x2d: {  	[tilespmem:$0xAA60] =	vst v0  }
0x2e: {  	s2 =	simm.s32 $0x0;
	s5 =	simm.s32 $0x200;
	[tilespmem:$0xAA70] =	vst v0  }
.LBB2_2:
0x2f: {  	p0 =	sne.s32 s5, $0xFE00;
	[tilespmem:s2+$0x2A70] =	vst v1  }
0x30: {  	[tilespmem:s2+$0x2A00] =	vst v1  }
0x31: {  	[tilespmem:s2+$0x2A10] =	vst v1  }
.Ltmp2:
0x32: {  	[tilespmem:s2+$0x2A20] =	vst v1;
	(pc) =	sbr.rel @p0 .LBB2_2-.Ltmp2, $4  }
0x33: {  	[tilespmem:s2+$0x2A30] =	vst v1  }
0x34: {  	[tilespmem:s2+$0x2A40] =	vst v1  }
0x35: {  	[tilespmem:s2+$0x2A50] =	vst v1  }
0x36: {  	[tilespmem:s2+$0x2A60] =	vst v1;
	s2 =	sshra.s32 s5, $0x2;
	s5 =	sadd.s32 $0x200, s5  }
0x37: {  	[tilespmem:s2+$0x2A70] =	vst v1  }
0x38: {  	[tilespmem:s2+$0x2A00] =	vst v1  }
0x39: {  	[tilespmem:s2+$0x2A10] =	vst v1  }
0x3a: {  	[tilespmem:s2+$0x2A20] =	vst v1  }
0x3b: {  	[tilespmem:s2+$0x2A30] =	vst v1  }
0x3c: {  	[tilespmem:s2+$0x2A40] =	vst v1  }
0x3d: {  	[tilespmem:s2+$0x2A50] =	vst v1  }
0x3e: {  	[tilespmem:s2+$0x2A60] =	vst v1  }
0x3f: {  	[spmem:s7] =	stream.linear.scatter [tilespmem:s20], [sflag:$0x2], $0x4000, $0x38;
	[tilespmem:$0x1E900] =	vst v63  }
0x40: {  	_ = 	snop  }
0x41: {  	[spmem:s8] =	stream.linear.scatter [tilespmem:s20], [sflag:$0x2], $0x4000, $0x38;
	[tilespmem:$0x1E900] =	vst v63  }
0x42: {  	_ = 	snop  }
0x43: {  	[spmem:s9] =	stream.linear.scatter [tilespmem:s20], [sflag:$0x2], $0x4000, $0x38;
	[tilespmem:$0x1E900] =	vst v63  }
0x44: {  	_ = 	snop  }
0x45: {  	[spmem:s10] =	stream.linear.scatter [tilespmem:s20], [sflag:$0x2], $0x4000, $0x38;
	[tilespmem:$0x1E900] =	vst v63  }
0x46: {  	_ = 	snop  }
0x47: {  	[spmem:s11] =	stream.linear.scatter [tilespmem:s20], [sflag:$0x2], $0x4000, $0x38;
	[tilespmem:$0x1E900] =	vst v63  }
0x48: {  	_ = 	snop  }
0x49: {  	[spmem:s12] =	stream.linear.scatter [tilespmem:s20], [sflag:$0x3], $0x80, $0x38;
	[tilespmem:$0x1E900] =	vst v63  }
0x4a: {  	_ = 	snop  }
0x4b: {  	[spmem:s13] =	stream.linear.scatter [tilespmem:s20], [sflag:$0x3], $0x80, $0x38;
	[tilespmem:$0x1E900] =	vst v63  }
0x4c: {  	_ = 	snop  }
0x4d: {  	[spmem:s14] =	stream.linear.scatter [tilespmem:s20], [sflag:$0x3], $0x80, $0x38;
	[tilespmem:$0x1E900] =	vst v63  }
0x4e: {  	_ = 	snop  }
0x4f: {  	[spmem:s15] =	stream.linear.scatter [tilespmem:s20], [sflag:$0x3], $0x80, $0x38;
	[tilespmem:$0x1E900] =	vst v63  }
0x50: {  	_ = 	snop  }
0x51: {  	[spmem:s16] =	stream.linear.scatter [tilespmem:s20], [sflag:$0x3], $0x80, $0x38;
	[tilespmem:$0x1E900] =	vst v63  }
0x52: {  	_ =	swait.ge [sflag:s21], $0x4000  }
0x53: {  	[sflag:s21] =	ssyncset.done $0x0  }
0x54: {  	[sflag:s21] =	ssyncadd.s32 $0xFFFFC000  }
0x55: {  	_ =	swait.ge [sflag:s21], $0x4000  }
0x56: {  	[sflag:s21] =	ssyncset.done $0x0  }
0x57: {  	[sflag:s21] =	ssyncadd.s32 $0xFFFFC000  }
0x58: {  	_ =	swait.ge [sflag:s21], $0x4000  }
0x59: {  	[sflag:s21] =	ssyncset.done $0x0  }
0x5a: {  	[sflag:s21] =	ssyncadd.s32 $0xFFFFC000  }
0x5b: {  	_ =	swait.ge [sflag:s21], $0x4000  }
0x5c: {  	[sflag:s21] =	ssyncset.done $0x0  }
0x5d: {  	[sflag:s21] =	ssyncadd.s32 $0xFFFFC000  }
0x5e: {  	_ =	swait.ge [sflag:s21], $0x4000  }
0x5f: {  	[sflag:s21] =	ssyncset.done $0x0  }
0x60: {  	[sflag:s21] =	ssyncadd.s32 $0xFFFFC000  }
0x61: {  	_ =	swait.ge [sflag:s22], $0x80  }
0x62: {  	[sflag:s22] =	ssyncset.done $0x0  }
0x63: {  	[sflag:s22] =	ssyncadd.s32 $0xFFFFFF80  }
0x64: {  	_ =	swait.ge [sflag:s22], $0x80  }
0x65: {  	[sflag:s22] =	ssyncset.done $0x0  }
0x66: {  	[sflag:s22] =	ssyncadd.s32 $0xFFFFFF80  }
0x67: {  	_ =	swait.ge [sflag:s22], $0x80  }
0x68: {  	[sflag:s22] =	ssyncset.done $0x0  }
0x69: {  	[sflag:s22] =	ssyncadd.s32 $0xFFFFFF80  }
0x6a: {  	_ =	swait.ge [sflag:s22], $0x80  }
0x6b: {  	[sflag:s22] =	ssyncset.done $0x0  }
0x6c: {  	[sflag:s22] =	ssyncadd.s32 $0xFFFFFF80  }
0x6d: {  	_ =	swait.ge [sflag:s22], $0x80  }
0x6e: {  	[sflag:s22] =	ssyncset.done $0x0  }
0x6f: {  	[sflag:s22] =	ssyncadd.s32 $0xFFFFFF80  }
0x70: {  	_ =	swait.ge [sflag:s23], $0x2800  }
0x71: {  	[sflag:s23] =	ssyncset.done $0x0  }
0x72: {  	[sflag:s23] =	ssyncadd.s32 $0xFFFFD800  }
0x73: {  	v2 =	vld [tilespmem:$0x0];
	_ =	sdelay $0x1  }
0x74: {  	v3 =	vld [tilespmem:$0x10];
	_ =	sdelay $0x1  }
0x75: {  	v4 =	vld [tilespmem:$0x20]  }
0x76: {  	v5 =	vand.u32 $0xFFFF, v2  }
0x77: {  	v61 =	vld [tilespmem:$0x30];
	v2 =	vshra.s32 v2, $0x10;
	[tilespmem:$0x2800] =	vst v5  }
0x78: {  	[tilespmem:$0x2900] =	vst v2;
	v2 =	vand.u32 $0xFFFF, v3  }
0x79: {  	[tilespmem:$0x2810] =	vst v2;
	v2 =	vshra.s32 v3, $0x10;
	v3 =	vld [tilespmem:$0x40]  }
0x7a: {  	[tilespmem:$0x2910] =	vst v2;
	v2 =	vand.u32 $0xFFFF, v4  }
0x7b: {  	v62 =	vld [tilespmem:$0x50];
	[tilespmem:$0x2820] =	vst v2;
	v2 =	vshra.s32 v4, $0x10  }
0x7c: {  	[tilespmem:$0x2920] =	vst v2;
	v2 =	vand.u32 $0xFFFF, v61  }
0x7d: {  	v63 =	vld [tilespmem:$0x60];
	[tilespmem:$0x2830] =	vst v2;
	v2 =	vshra.s32 v61, $0x10  }
0x7e: {  	[tilespmem:$0x2930] =	vst v2;
	v2 =	vand.u32 $0xFFFF, v3  }
0x7f: {  	[tilespmem:$0x2840] =	vst v2;
	v2 =	vshra.s32 v3, $0x10;
	v3 =	vld [tilespmem:$0x70]  }
0x80: {  	[tilespmem:$0x2940] =	vst v2;
	v2 =	vand.u32 $0xFFFF, v62  }
0x81: {  	[tilespmem:$0x2850] =	vst v2;
	v2 =	vshra.s32 v62, $0x10  }
0x82: {  	[tilespmem:$0x2950] =	vst v2;
	v2 =	vand.u32 $0xFFFF, v63  }
0x83: {  	[tilespmem:$0x2860] =	vst v2;
	v2 =	vshra.s32 v63, $0x10  }
0x84: {  	[tilespmem:$0x2960] =	vst v2;
	v2 =	vand.u32 $0xFFFF, v3  }
.Ltmp3:
0x85: {  	[tilespmem:$0x2870] =	vst v2;
	v2 =	vshra.s32 v3, $0x10;
	(pc) =	sbr.rel .LBB2_4-.Ltmp3, $4  }
0x86: {  	s1 =	simm.s32 $0x2800;
	[tilespmem:$0x2970] =	vst v2  }
0x87: {  	[tilespmem:s20], [sflag:$0x1] =	stream.indirect.gather [hbm4b:s0+s24], $0x80, s1, s24, $0xb8;
	[tilespmem:$0x1E900] =	vst v63  }
0x88: {  	[bflag:$0x0] =	sbarrier.arrive $0xFFFF  }
0x89: {  	s2 =	simm.s32 $0x0  }
.LBB2_6:
0x8a: {  	_ =	swait.ge [sflag:s23], $0x4000;
	s2 =	sshll.u32 s5, $0xE;
	p0 =	slt.u32 s1, $0x50  }
.Ltmp4:
0x8b: {  	s29 =	sshll.u32 s5, $0x7;
	[sflag:s23] =	ssyncset.done $0x0;
	(pc) =	sbr.rel @!p0 .LBB2_7-.Ltmp4, $4  }
0x8c: {  	s2 =	sor.u32 $0x2A00, s2;
	s5 =	sor.u32 $0x2900, s29;
	[sflag:s23] =	ssyncadd.s32 $0xFFFFC000  }
0x8d: {  	[spmem:s3] =	stream.indirect.scatter.add.f32 [tilespmem:s2], [sflag:$0x2], $0x80, s5, s24, $0xb8;
	[tilespmem:$0x1E900] =	vst v63  }
0x8e: {  	s2 =	smov.u32 s1  }
0x8f: {  	[spmem:s4] =	stream.indirect.scatter.add.f32 [tilespmem:s26], [sflag:$0x3], $0x1, s5, s24, $0xb8;
	[tilespmem:$0x1E900] =	vst v63  }
.LBB2_4:
0x90: {  	p0 =	seq.s32 s2, $0x0  }
0x91: {  	s1 =	simm.s32 @!p0 $0x2;
	p1 =	seq.s32 @!p0 s2, $0x4F  }
0x92: {  	_ =	swait.ge @!p0 [sflag:s1], $0x4000;
	p1 =	por p0, !p1  }
.Ltmp5:
0x93: {  	[sflag:s1] =	ssyncset.done @!p0 $0x0;
	(pc) =	sbr.rel @!p1 .LBB2_6-.Ltmp5, $4  }
0x94: {  	[sflag:s1] =	ssyncadd.s32 @!p0 $0xFFFFC000;
	s1 =	simm.s32 @!p0 $0x3  }
0x95: {  	_ =	swait.ge @!p0 [sflag:s1], $0x80  }
0x96: {  	[sflag:s1] =	ssyncset.done @!p0 $0x0  }
0x97: {  	s5 =	sand.u32 $0x1, s2;
	[sflag:s1] =	ssyncadd.s32 @!p0 $0xFFFFFF80;
	s1 =	simm.s32 @!p0 $0x50  }
0x98: {  	s1 =	sadd.s32 @!p0 $0x1, s2  }
0x99: {  	s1 =	simm.s32 @p0 $0x1  }
0x9a: {  	s29 =	sshll.u32 s1, $0x7  }
0x9b: {  	s2 =	sand.u32 $0x3FFFFF80, s29  }
0x9c: {  	v2 =	vld [tilespmem:s2+$0x0];
	_ =	sdelay $0x3  }
0x9d: {  	s25 =	sxor.u32 $0x1, s5  }
0x9e: {  	s29 =	sshll.u32 s25, $0x7;
	v3 =	vand.u32 $0xFFFF, v2  }
0x9f: {  	v2 =	vshra.s32 v2, $0x10;
	[tilespmem:s29+$0x2800] =	vst v3  }
0xa0: {  	[tilespmem:s29+$0x2900] =	vst v2  }
0xa1: {  	v2 =	vld [tilespmem:s2+$0x10];
	_ =	sdelay $0x4  }
0xa2: {  	v3 =	vand.u32 $0xFFFF, v2  }
0xa3: {  	v2 =	vshra.s32 v2, $0x10;
	[tilespmem:s29+$0x2810] =	vst v3  }
0xa4: {  	[tilespmem:s29+$0x2910] =	vst v2  }
0xa5: {  	v2 =	vld [tilespmem:s2+$0x20];
	_ =	sdelay $0x4  }
0xa6: {  	v3 =	vand.u32 $0xFFFF, v2  }
0xa7: {  	v2 =	vshra.s32 v2, $0x10;
	[tilespmem:s29+$0x2820] =	vst v3  }
0xa8: {  	[tilespmem:s29+$0x2920] =	vst v2  }
0xa9: {  	v2 =	vld [tilespmem:s2+$0x30];
	_ =	sdelay $0x4  }
0xaa: {  	v3 =	vand.u32 $0xFFFF, v2  }
0xab: {  	v2 =	vshra.s32 v2, $0x10;
	[tilespmem:s29+$0x2830] =	vst v3  }
0xac: {  	[tilespmem:s29+$0x2930] =	vst v2  }
0xad: {  	v2 =	vld [tilespmem:s2+$0x40];
	_ =	sdelay $0x4  }
0xae: {  	v3 =	vand.u32 $0xFFFF, v2  }
0xaf: {  	v2 =	vshra.s32 v2, $0x10;
	[tilespmem:s29+$0x2840] =	vst v3  }
0xb0: {  	[tilespmem:s29+$0x2940] =	vst v2  }
0xb1: {  	v2 =	vld [tilespmem:s2+$0x50];
	_ =	sdelay $0x4  }
0xb2: {  	v3 =	vand.u32 $0xFFFF, v2  }
0xb3: {  	v2 =	vshra.s32 v2, $0x10;
	[tilespmem:s29+$0x2850] =	vst v3  }
0xb4: {  	[tilespmem:s29+$0x2950] =	vst v2  }
0xb5: {  	v2 =	vld [tilespmem:s2+$0x60];
	_ =	sdelay $0x4  }
0xb6: {  	v3 =	vand.u32 $0xFFFF, v2  }
0xb7: {  	v2 =	vshra.s32 v2, $0x10;
	[tilespmem:s29+$0x2860] =	vst v3  }
0xb8: {  	[tilespmem:s29+$0x2960] =	vst v2  }
0xb9: {  	v2 =	vld [tilespmem:s2+$0x70];
	_ =	sdelay $0x3  }
.Ltmp6:
0xba: {  	_ = 	snop;
	(pc) =	sbr.rel .LBB2_6-.Ltmp6, $4  }
0xbb: {  	v3 =	vand.u32 $0xFFFF, v2  }
0xbc: {  	s2 =	sshll.u32 s25, $0xE;
	v2 =	vshra.s32 v2, $0x10;
	[tilespmem:s29+$0x2870] =	vst v3  }
0xbd: {  	s25 =	sor.u32 $0x2800, s29;
	s2 =	sor.u32 $0x2A00, s2;
	[tilespmem:s29+$0x2970] =	vst v2  }
0xbe: {  	[tilespmem:s2], [sflag:$0x1] =	stream.indirect.gather [hbm4b:s0+s24], $0x80, s25, s24, $0xb8;
	[tilespmem:$0x1E900] =	vst v63  }
.LBB2_8:
0xbf: {  	_ =	sfence.sel $0x180000  }
0xc0: {  	[bflag:$0x0] =	sbarrier.arrive $0xFFFF  }
0xc1: {  	_ =	strace $0x90000047  }
0xc2: {  	s0 =	stileid.u32;
	[bflag:$0x2] =	sbarrier.arrive $0xFFFF  }
0xc3: {  	p0 =	sne.s32 s0, $0x0;
	s0 =	rddreg [dreg:$0x5]  }
0xc4: {  	s0 =	sadd.s32 @!p0 $0x100000, s0  }
0xc5: {  	[sflag:s0] =	ssyncadd.tile.s32 @!p0 $0x1;
	_ =	shalt  }
.Lfunc_end2:
_tile_overlayer_lowered:
.L_overlay_start_2:
0xc6: {  	(tag) =	ssettag $0x2  }
0xc7: {  	s0 =	rddreg [dreg:$0x0];
	s2 =	stileid.u32  }
0xc8: {  	s1 =	rddreg [dreg:$0x1];
	p0 =	sne.s32 s2, $0x0  }
0xc9: {  	s3 =	rddreg [dreg:$0x2];
	[bflag:$0x3] =	sbarrier.arrive $0xFFFF;
	s2 =	simm.s32 @!p0 $0x1C04  }
0xca: {  	[timem:s3], [sflag:s2] =	dma.local @!p0 [hbm:s0], s1  }
0xcb: {  	s0 =	simm.s32 @!p0 $0x4  }
0xcc: {  	_ =	swait.ge @!p0 [sflag:s0], s1  }
0xcd: {  	s1 =	ssub.s32 @!p0 $0x0, s1;
	[sflag:s0] =	ssyncset.done @!p0 $0x0  }
0xce: {  	[sflag:s0] =	ssyncadd.s32 @!p0 s1  }
0xcf: {  	[bflag:$0x3] =	sbarrier.arrive $0xFFFF  }
0xd0: {  	_ =	shalt  }

</sc_bundles>
